<compile_context>
chip_gen: v7x
topology: tpu7x:2x2x1
jax: 0.10.2.dev20260603
libtpu: 0.0.44.dev20260713+nightly
codegen_flags: <defaults>
</compile_context>

<pallas_src>
import functools

import jax
import jax.numpy as jnp
from jax import lax
from jax.experimental import pallas as pl
from jax.experimental.pallas import tpu as pltpu, tpu_sc as plsc

N_NODES = 10000
D = 128
NC = 2
NS = 16
NW = NC * NS
N_EDGES = 320000
EPT = N_EDGES // NW
CH = 64
CPT = EPT // CH
TAIL = EPT - CPT * CH
NSLOT = 4
PF = 2
ROWS_PER_TILE = 640
ROWS_SC = NS * ROWS_PER_TILE
BLK = 1000


def _fill1d_f32(ref, n, val):
    vec = jnp.full((16,), val, jnp.float32)

    def body(i, carry):
        ref[pl.ds(i * 16, 16)] = vec
        return carry

    lax.fori_loop(0, n // 16, body, 0)


def _fill2d_f32(ref, rows, cols, val):
    vec = jnp.full((16,), val, jnp.float32)
    ncol = cols // 16

    def body(i, carry):
        r = i // ncol
        c = (i % ncol) * 16
        ref[r, pl.ds(c, 16)] = vec
        return carry

    lax.fori_loop(0, rows * ncol, body, 0)


def _make_agg_kernel():
    mesh = plsc.VectorSubcoreMesh(core_axis_name="c", subcore_axis_name="s")

    @functools.partial(
        pl.kernel,
        mesh=mesh,
        out_type=[
            jax.ShapeDtypeStruct((NC, ROWS_SC, D), jnp.float32),
            jax.ShapeDtypeStruct((NC, ROWS_SC), jnp.float32),
        ],
        scratch_types=(
            [pltpu.VMEM((EPT,), jnp.int32)]
            + [pltpu.VMEM((CH,), jnp.int32) for _ in range(NSLOT)]
            + [pltpu.VMEM((CH, D), jnp.float32) for _ in range(NSLOT)]
            + [pltpu.VMEM((CH,), jnp.float32)]
            + [pltpu.VMEM((TAIL,), jnp.int32)]
            + [pltpu.VMEM((TAIL, D), jnp.float32)]
            + [pltpu.VMEM((TAIL,), jnp.float32)]
            + [pltpu.VMEM((ROWS_PER_TILE,), jnp.float32)]
            + [pltpu.VMEM_SHARED((ROWS_SC, D), jnp.float32)]
            + [pltpu.VMEM_SHARED((ROWS_SC,), jnp.float32)]
            + [pltpu.SemaphoreType.DMA for _ in range(3 * NSLOT)]
        ),
    )
    def agg(x_hbm, edge_hbm, acc_out, deg_out, src_all,
            d0, d1, d2, d3, r0, r1, r2, r3, onesv, tdst, trows, tones, zdeg,
            acc_sh, deg_sh,
            i0, i1, i2, i3, g0, g1, g2, g3, s0, s1, s2, s3):
        dstv = [d0, d1, d2, d3]
        rows = [r0, r1, r2, r3]
        isem = [i0, i1, i2, i3]
        gsem = [g0, g1, g2, g3]
        ssem = [s0, s1, s2, s3]
        c = lax.axis_index("c")
        s = lax.axis_index("s")
        w = c * NS + s
        e0 = w * EPT

        pltpu.sync_copy(edge_hbm.at[pl.ds(e0, EPT)], src_all)

        _fill2d_f32(r0, CH, D, 0.0)
        _fill1d_f32(onesv, CH, 1.0)
        _fill1d_f32(tones, TAIL, 1.0)
        _fill1d_f32(zdeg, ROWS_PER_TILE, 0.0)
        base = s * ROWS_PER_TILE
        for k in range(ROWS_PER_TILE // CH):
            pltpu.sync_copy(r0, acc_sh.at[pl.ds(base + k * CH, CH)])
        pltpu.sync_copy(zdeg, deg_sh.at[pl.ds(base, ROWS_PER_TILE)])
        plsc.subcore_barrier()

        def issue_fetch(j, b):
            pltpu.async_copy(edge_hbm.at[pl.ds(N_EDGES + e0 + j * CH, CH)],
                             dstv[b], isem[b])
            pltpu.async_copy(x_hbm.at[src_all.at[pl.ds(j * CH, CH)]],
                             rows[b], gsem[b])

        def wait_scatter(b):
            pltpu.make_async_copy(rows[b], acc_sh.at[dstv[b]], ssem[b]).wait()
            pltpu.make_async_copy(onesv, deg_sh.at[dstv[b]], ssem[b]).wait()

        for b in range(PF):
            issue_fetch(b, b)

        def body(g, carry):
            for b in range(NSLOT):
                j = g * NSLOT + b
                pltpu.make_async_copy(
                    edge_hbm.at[pl.ds(N_EDGES + e0 + j * CH, CH)],
                    dstv[b], isem[b]).wait()
                pltpu.make_async_copy(
                    x_hbm.at[src_all.at[pl.ds(j * CH, CH)]],
                    rows[b], gsem[b]).wait()
                pltpu.async_copy(rows[b], acc_sh.at[dstv[b]], ssem[b],
                                 add=True)
                pltpu.async_copy(onesv, deg_sh.at[dstv[b]], ssem[b],
                                 add=True)

                bn = (b + PF) % NSLOT

                @pl.when(j < CPT - PF)
                def _():
                    if b + PF >= NSLOT:
                        wait_scatter(bn)
                        issue_fetch(j + PF, bn)
                    else:
                        @pl.when(g >= 1)
                        def _():
                            wait_scatter(bn)
                        issue_fetch(j + PF, bn)
            return carry

        lax.fori_loop(0, CPT // NSLOT, body, 0)

        for b in range(NSLOT):
            wait_scatter(b)

        t0 = N_EDGES + e0 + CPT * CH
        pltpu.sync_copy(edge_hbm.at[pl.ds(t0, TAIL)], tdst)
        pltpu.sync_copy(x_hbm.at[src_all.at[pl.ds(CPT * CH, TAIL)]], trows)
        pltpu.sync_copy(trows, acc_sh.at[tdst], add=True)
        pltpu.sync_copy(tones, deg_sh.at[tdst], add=True)
        plsc.subcore_barrier()

        pltpu.sync_copy(acc_sh.at[pl.ds(base, ROWS_PER_TILE)],
                        acc_out.at[c, pl.ds(base, ROWS_PER_TILE)])
        pltpu.sync_copy(deg_sh.at[pl.ds(base, ROWS_PER_TILE)],
                        deg_out.at[c, pl.ds(base, ROWS_PER_TILE)])

    return agg


_agg_kernel = _make_agg_kernel()


def _tc_body(acc_ref, deg_ref, w_ref, b_ref, o_ref):
    a = acc_ref[0] + acc_ref[1]
    dg = deg_ref[0] + deg_ref[1]
    m = a / jnp.maximum(dg, 1.0)
    h = lax.dot_general(m, w_ref[...], (((1,), (1,)), ((), ())),
                        preferred_element_type=jnp.float32)
    o_ref[...] = jnp.maximum(h + b_ref[...], 0.0)


def _tc_call(acc, deg, W, b2):
    grid = N_NODES // BLK
    return pl.pallas_call(
        _tc_body,
        grid=(grid,),
        in_specs=[
            pl.BlockSpec((NC, BLK, D), lambda i: (0, i, 0)),
            pl.BlockSpec((NC, BLK, 1), lambda i: (0, i, 0)),
            pl.BlockSpec((D, D), lambda i: (0, 0)),
            pl.BlockSpec((1, D), lambda i: (0, 0)),
        ],
        out_specs=pl.BlockSpec((BLK, D), lambda i: (i, 0)),
        out_shape=jax.ShapeDtypeStruct((N_NODES, D), jnp.float32),
    )(acc, deg, W, b2)


def kernel(x, edge_index, W, b):
    acc, deg = _agg_kernel(x, edge_index.astype(jnp.int32).reshape(-1))
    return _tc_call(acc, deg.reshape(NC, ROWS_SC, 1), W, b.reshape(1, D))

# --- scband reference (transcript-rebuilt; emitter-appended) ---
"""Pipeline reference for scband-gcn-49074296324573 (READ-ONLY COPY).

The authoritative reference and input builder live on the scoring server;
editing this copy changes nothing except your own understanding.
"""

import jax, jax.numpy as jnp
import numpy as np

N_NODES = 10000
N_EDGES = 320000
D_IN = 128
D_OUT = 128

def setup_inputs(seed: int = 0) -> dict:
    key = jax.random.key(seed)
    k1, k2, k3 = jax.random.split(key, 3)
    x = jax.random.normal(k1, (N_NODES, D_IN), dtype=jnp.float32)
    edge_index = jax.random.randint(k2, (2, N_EDGES), 0, N_NODES, dtype=jnp.int64)
    # Xavier-uniform init for the linear weight, zeros for bias (matches _init_weights)
    limit = float(np.sqrt(6.0 / (D_IN + D_OUT)))
    W = jax.random.uniform(k3, (D_OUT, D_IN), dtype=jnp.float32, minval=-limit, maxval=limit)
    b = jnp.zeros((D_OUT,), dtype=jnp.float32)
    return {"x": x, "edge_index": edge_index, "W": W, "b": b}

def reference(x, edge_index, W, b):
    src = edge_index[0]
    dst = edge_index[1]
    # gcn_msg = fn.copy_u('h','m'): gather source node features along edges
    msgs = jnp.take(x, src, axis=0)
    # gcn_reduce_mean = fn.mean('m','h'): mean of incoming messages per destination node
    agg_sum = jax.ops.segment_sum(msgs, dst, num_segments=N_NODES)
    deg = jax.ops.segment_sum(jnp.ones((msgs.shape[0],), dtype=jnp.float32), dst, num_segments=N_NODES)
    # nodes with zero in-degree keep 0 features (DGL semantics); avoid div-by-zero
    h = agg_sum / jnp.maximum(deg, 1.0)[:, None]
    # NodeApplyModule: linear + activation (relu)
    h = h @ W.T + b
    h = jax.nn.relu(h)
    return h

if __name__ == "__main__":
    import jax
    _d = setup_inputs()
    print(jax.jit(kernel)(*tuple(_d.values())))

</pallas_src>

<mosaic_0001>
#map = affine_map<(d0, d1) -> (0, 0)>
#map1 = affine_map<(d0, d1) -> (0)>
#map2 = affine_map<(d0, d1) -> (0, 0, 0)>
module attributes {stable_mosaic.version = 14 : i64} {
  func.func @agg(%arg0: i32, %arg1: i32, %arg2: memref<10000x128xf32, #tpu.memory_space<hbm>>, %arg3: memref<640000xi32, #tpu.memory_space<hbm>>, %arg4: memref<2x10240x128xf32, #tpu.memory_space<hbm>>, %arg5: memref<2x10240xf32, #tpu.memory_space<hbm>>, %arg6: memref<10000xi32, #tpu.memory_space<vmem>>, %arg7: memref<64xi32, #tpu.memory_space<vmem>>, %arg8: memref<64xi32, #tpu.memory_space<vmem>>, %arg9: memref<64xi32, #tpu.memory_space<vmem>>, %arg10: memref<64xi32, #tpu.memory_space<vmem>>, %arg11: memref<64x128xf32, #tpu.memory_space<vmem>>, %arg12: memref<64x128xf32, #tpu.memory_space<vmem>>, %arg13: memref<64x128xf32, #tpu.memory_space<vmem>>, %arg14: memref<64x128xf32, #tpu.memory_space<vmem>>, %arg15: memref<64xf32, #tpu.memory_space<vmem>>, %arg16: memref<16xi32, #tpu.memory_space<vmem>>, %arg17: memref<16x128xf32, #tpu.memory_space<vmem>>, %arg18: memref<16xf32, #tpu.memory_space<vmem>>, %arg19: memref<640xf32, #tpu.memory_space<vmem>>, %arg20: memref<10240x128xf32, #tpu.memory_space<vmem_shared>>, %arg21: memref<10240xf32, #tpu.memory_space<vmem_shared>>, %arg22: memref<!tpu.dma_semaphore, #tpu.memory_space<semaphore_mem>>, %arg23: memref<!tpu.dma_semaphore, #tpu.memory_space<semaphore_mem>>, %arg24: memref<!tpu.dma_semaphore, #tpu.memory_space<semaphore_mem>>, %arg25: memref<!tpu.dma_semaphore, #tpu.memory_space<semaphore_mem>>, %arg26: memref<!tpu.dma_semaphore, #tpu.memory_space<semaphore_mem>>, %arg27: memref<!tpu.dma_semaphore, #tpu.memory_space<semaphore_mem>>, %arg28: memref<!tpu.dma_semaphore, #tpu.memory_space<semaphore_mem>>, %arg29: memref<!tpu.dma_semaphore, #tpu.memory_space<semaphore_mem>>, %arg30: memref<!tpu.dma_semaphore, #tpu.memory_space<semaphore_mem>>, %arg31: memref<!tpu.dma_semaphore, #tpu.memory_space<semaphore_mem>>, %arg32: memref<!tpu.dma_semaphore, #tpu.memory_space<semaphore_mem>>, %arg33: memref<!tpu.dma_semaphore, #tpu.memory_space<semaphore_mem>>) attributes {dimension_semantics = [#tpu.dimension_semantics<core_parallel>, #tpu.dimension_semantics<subcore_parallel>], iteration_bounds = array<i64: 2, 16>, scalar_prefetch = 0 : i64, scratch_operands = 28 : i64, tpu.core_type = #tpu.core_type<sc_vector_subcore>, window_params = [{transform_indices = #map}, {transform_indices = #map1}, {transform_indices = #map2}, {transform_indices = #map}]} {
    %mul3A = arith.constant 16 : i32
    %mul3A_0 = arith.muli %arg0, %mul3A : i32
    %add3A = arith.addi %mul3A_0, %arg1 : i32
    %mul3A_1 = arith.constant 10000 : i32
    %mul3A_2 = arith.muli %add3A, %mul3A_1 : i32
    "tpu.region"() ({
      %run_scoped3A = tpu.sem_alloc : memref<!tpu.dma_semaphore, #tpu.memory_space<semaphore_mem>>
      %dma_start3A_108 = tpu.memref_slice %arg3[%mul3A_2] : memref<640000xi32, #tpu.memory_space<hbm>> -> memref<10000xi32, #tpu.memory_space<hbm>>
      %dma_start3A_109 = tpu.memref_slice %arg3[%mul3A_2] : memref<640000xi32, #tpu.memory_space<hbm>> -> memref<10000xi32, #tpu.memory_space<hbm>>
      tpu.enqueue_dma source(%dma_start3A_109 : memref<10000xi32, #tpu.memory_space<hbm>>) target(%arg6 : memref<10000xi32, #tpu.memory_space<vmem>>) target_semaphore(%run_scoped3A : memref<!tpu.dma_semaphore, #tpu.memory_space<semaphore_mem>>)
      %dma_wait3A_110 = tpu.memref_slice %arg3[%mul3A_2] : memref<640000xi32, #tpu.memory_space<hbm>> -> memref<10000xi32, #tpu.memory_space<hbm>>
      %dma_wait3A_111 = tpu.memref_slice %arg3[%mul3A_2] : memref<640000xi32, #tpu.memory_space<hbm>> -> memref<10000xi32, #tpu.memory_space<hbm>>
      tpu.wait_dma2 semaphore(%run_scoped3A : memref<!tpu.dma_semaphore, #tpu.memory_space<semaphore_mem>>) src(%dma_wait3A_111 : memref<10000xi32, #tpu.memory_space<hbm>>) dst(%arg6 : memref<10000xi32, #tpu.memory_space<vmem>>)
      tpu.yield
    }) : () -> ()
    %broadcast_in_dim3A = arith.constant 0.000000e+00 : f32
    %broadcast_in_dim3A_3 = vector.broadcast %broadcast_in_dim3A : f32 to vector<16xf32>
    %scan3A = arith.constant 0 : i32
    %scan3A_4 = arith.constant 0 : i32
    %scan3A_5 = arith.constant 512 : i32
    %scan3A_6 = arith.addi %scan3A_4, %scan3A_5 : i32
    %scan3A_7 = arith.constant 1 : i32
    scf.for %scan3A_108 = %scan3A_4 to %scan3A_6 step %scan3A_7  : i32 {
      %jit3A = arith.constant 8 : i32
      %div3A = arith.divsi %scan3A_108, %jit3A : i32
      %sign3A = arith.constant 0 : i32
      %sign3A_109 = arith.cmpi sgt, %scan3A_108, %sign3A : i32
      %sign3A_110 = arith.extui %sign3A_109 : i1 to i32
      %sign3A_111 = arith.constant 0 : i32
      %sign3A_112 = arith.cmpi slt, %scan3A_108, %sign3A_111 : i32
      %sign3A_113 = arith.extui %sign3A_112 : i1 to i32
      %sign3A_114 = arith.subi %sign3A_110, %sign3A_113 : i32
      %sign3A_115 = arith.constant 0 : i32
      %sign3A_116 = arith.cmpi sgt, %jit3A, %sign3A_115 : i32
      %sign3A_117 = arith.extui %sign3A_116 : i1 to i32
      %sign3A_118 = arith.constant 0 : i32
      %sign3A_119 = arith.cmpi slt, %jit3A, %sign3A_118 : i32
      %sign3A_120 = arith.extui %sign3A_119 : i1 to i32
      %sign3A_121 = arith.subi %sign3A_117, %sign3A_120 : i32
      %ne3A = arith.cmpi ne, %sign3A_114, %sign3A_121 : i32
      %rem3A = arith.remsi %scan3A_108, %jit3A : i32
      %ne3A_122 = arith.constant 0 : i32
      %ne3A_123 = arith.cmpi ne, %rem3A, %ne3A_122 : i32
      %and3A = arith.andi %ne3A, %ne3A_123 : i1
      %sub3A = arith.constant 1 : i32
      %sub3A_124 = arith.subi %div3A, %sub3A : i32
      %select_n3A = arith.select %and3A, %sub3A_124, %div3A : i32
      %jit3A_125 = arith.constant 8 : i32
      %eq3A = arith.constant 0 : i32
      %eq3A_126 = arith.cmpi eq, %jit3A_125, %eq3A : i32
      %jit3A_127 = arith.constant 1 : i32
      %select_n3A_128 = arith.select %eq3A_126, %jit3A_127, %jit3A_125 : i32
      %rem3A_129 = arith.remsi %scan3A_108, %select_n3A_128 : i32
      %ne3A_130 = arith.constant 0 : i32
      %ne3A_131 = arith.cmpi ne, %rem3A_129, %ne3A_130 : i32
      %lt3A = arith.constant 0 : i32
      %lt3A_132 = arith.cmpi slt, %rem3A_129, %lt3A : i32
      %lt3A_133 = arith.constant 0 : i32
      %lt3A_134 = arith.cmpi slt, %select_n3A_128, %lt3A_133 : i32
      %ne3A_135 = arith.xori %lt3A_132, %lt3A_134 : i1
      %and3A_136 = arith.andi %ne3A_135, %ne3A_131 : i1
      %add3A_137 = arith.addi %rem3A_129, %select_n3A_128 : i32
      %select_n3A_138 = arith.select %and3A_136, %add3A_137, %rem3A_129 : i32
      %mul3A_139 = arith.constant 16 : i32
      %mul3A_140 = arith.muli %select_n3A_138, %mul3A_139 : i32
      %swap3A_141 = arith.index_cast %select_n3A : i32 to index
      %swap3A_142 = arith.index_cast %mul3A_140 : i32 to index
      %swap3A_143 = tpu.vector_load %arg11[%swap3A_141, %swap3A_142] {strides = array<i32>} : memref<64x128xf32, #tpu.memory_space<vmem>>, vector<1x16xf32>,
      %swap3A_144 = vector.shape_cast %swap3A_143 : vector<1x16xf32> to vector<16xf32>
      %swap3A_145 = vector.shape_cast %broadcast_in_dim3A_3 : vector<16xf32> to vector<1x16xf32>
      tpu.vector_store %arg11[%swap3A_141, %swap3A_142], %swap3A_145 {strides = array<i32>} : memref<64x128xf32, #tpu.memory_space<vmem>>, vector<1x16xf32>,
    }
    %scan3A_8 = arith.constant 512 : i32
    %broadcast_in_dim3A_9 = arith.constant 1.000000e+00 : f32
    %broadcast_in_dim3A_10 = vector.broadcast %broadcast_in_dim3A_9 : f32 to vector<16xf32>
    %scan3A_11 = arith.constant 0 : i32
    %scan3A_12 = arith.constant 0 : i32
    %scan3A_13 = arith.constant 4 : i32
    %scan3A_14 = arith.addi %scan3A_12, %scan3A_13 : i32
    %scan3A_15 = arith.constant 1 : i32
    scf.for %scan3A_108 = %scan3A_12 to %scan3A_14 step %scan3A_15  : i32 {
      %mul3A_109 = arith.constant 16 : i32
      %mul3A_110 = arith.muli %scan3A_108, %mul3A_109 : i32
      %swap3A_111 = arith.index_cast %mul3A_110 : i32 to index
      %swap3A_112 = tpu.vector_load %arg15[%swap3A_111] {strides = array<i32>} : memref<64xf32, #tpu.memory_space<vmem>>, vector<16xf32>,
      %swap3A_113 = vector.shape_cast %swap3A_112 : vector<16xf32> to vector<16xf32>
      %swap3A_114 = vector.shape_cast %broadcast_in_dim3A_10 : vector<16xf32> to vector<16xf32>
      tpu.vector_store %arg15[%swap3A_111], %swap3A_114 {strides = array<i32>} : memref<64xf32, #tpu.memory_space<vmem>>, vector<16xf32>,
    }
    %scan3A_16 = arith.constant 4 : i32
    %broadcast_in_dim3A_17 = arith.constant 1.000000e+00 : f32
    %broadcast_in_dim3A_18 = vector.broadcast %broadcast_in_dim3A_17 : f32 to vector<16xf32>
    %scan3A_19 = arith.constant 0 : i32
    %scan3A_20 = arith.constant 0 : i32
    %mul3A_21 = arith.constant 16 : i32
    %mul3A_22 = arith.muli %scan3A_20, %mul3A_21 : i32
    %swap3A = arith.index_cast %mul3A_22 : i32 to index
    %swap3A_23 = tpu.vector_load %arg18[%swap3A] {strides = array<i32>} : memref<16xf32, #tpu.memory_space<vmem>>, vector<16xf32>,
    %swap3A_24 = vector.shape_cast %swap3A_23 : vector<16xf32> to vector<16xf32>
    %swap3A_25 = vector.shape_cast %broadcast_in_dim3A_18 : vector<16xf32> to vector<16xf32>
    tpu.vector_store %arg18[%swap3A], %swap3A_25 {strides = array<i32>} : memref<16xf32, #tpu.memory_space<vmem>>, vector<16xf32>,
    %scan3A_26 = arith.constant 1 : i32
    %broadcast_in_dim3A_27 = arith.constant 0.000000e+00 : f32
    %broadcast_in_dim3A_28 = vector.broadcast %broadcast_in_dim3A_27 : f32 to vector<16xf32>
    %scan3A_29 = arith.constant 0 : i32
    %scan3A_30 = arith.constant 0 : i32
    %scan3A_31 = arith.constant 40 : i32
    %scan3A_32 = arith.addi %scan3A_30, %scan3A_31 : i32
    %scan3A_33 = arith.constant 1 : i32
    scf.for %scan3A_108 = %scan3A_30 to %scan3A_32 step %scan3A_33  : i32 {
      %mul3A_109 = arith.constant 16 : i32
      %mul3A_110 = arith.muli %scan3A_108, %mul3A_109 : i32
      %swap3A_111 = arith.index_cast %mul3A_110 : i32 to index
      %swap3A_112 = tpu.vector_load %arg19[%swap3A_111] {strides = array<i32>} : memref<640xf32, #tpu.memory_space<vmem>>, vector<16xf32>,
      %swap3A_113 = vector.shape_cast %swap3A_112 : vector<16xf32> to vector<16xf32>
      %swap3A_114 = vector.shape_cast %broadcast_in_dim3A_28 : vector<16xf32> to vector<16xf32>
      tpu.vector_store %arg19[%swap3A_111], %swap3A_114 {strides = array<i32>} : memref<640xf32, #tpu.memory_space<vmem>>, vector<16xf32>,
    }
    %scan3A_34 = arith.constant 40 : i32
    %mul3A_35 = arith.constant 640 : i32
    %mul3A_36 = arith.muli %arg1, %mul3A_35 : i32
    %add3A_37 = arith.constant 0 : i32
    %add3A_38 = arith.addi %mul3A_36, %add3A_37 : i32
    "tpu.region"() ({
      %run_scoped3A = tpu.sem_alloc : memref<!tpu.dma_semaphore, #tpu.memory_space<semaphore_mem>>
      %dma_start3A_108 = arith.constant 0 : i32
      %dma_start3A_109 = tpu.memref_slice %arg20[%add3A_38, %dma_start3A_108] : memref<10240x128xf32, #tpu.memory_space<vmem_shared>> -> memref<64x128xf32, #tpu.memory_space<vmem_shared>>
      %dma_start3A_110 = arith.constant 0 : i32
      %dma_start3A_111 = tpu.memref_slice %arg20[%add3A_38, %dma_start3A_110] : memref<10240x128xf32, #tpu.memory_space<vmem_shared>> -> memref<64x128xf32, #tpu.memory_space<vmem_shared>>
      tpu.enqueue_dma source(%arg11 : memref<64x128xf32, #tpu.memory_space<vmem>>) target(%dma_start3A_111 : memref<64x128xf32, #tpu.memory_space<vmem_shared>>) target_semaphore(%run_scoped3A : memref<!tpu.dma_semaphore, #tpu.memory_space<semaphore_mem>>)
      %dma_wait3A_112 = arith.constant 0 : i32
      %dma_wait3A_113 = tpu.memref_slice %arg20[%add3A_38, %dma_wait3A_112] : memref<10240x128xf32, #tpu.memory_space<vmem_shared>> -> memref<64x128xf32, #tpu.memory_space<vmem_shared>>
      %dma_wait3A_114 = arith.constant 0 : i32
      %dma_wait3A_115 = tpu.memref_slice %arg20[%add3A_38, %dma_wait3A_114] : memref<10240x128xf32, #tpu.memory_space<vmem_shared>> -> memref<64x128xf32, #tpu.memory_space<vmem_shared>>
      tpu.wait_dma2 semaphore(%run_scoped3A : memref<!tpu.dma_semaphore, #tpu.memory_space<semaphore_mem>>) src(%arg11 : memref<64x128xf32, #tpu.memory_space<vmem>>) dst(%dma_wait3A_115 : memref<64x128xf32, #tpu.memory_space<vmem_shared>>)
      tpu.yield
    }) : () -> ()
    %add3A_39 = arith.constant 64 : i32
    %add3A_40 = arith.addi %mul3A_36, %add3A_39 : i32
    "tpu.region"() ({
      %run_scoped3A = tpu.sem_alloc : memref<!tpu.dma_semaphore, #tpu.memory_space<semaphore_mem>>
      %dma_start3A_108 = arith.constant 0 : i32
      %dma_start3A_109 = tpu.memref_slice %arg20[%add3A_40, %dma_start3A_108] : memref<10240x128xf32, #tpu.memory_space<vmem_shared>> -> memref<64x128xf32, #tpu.memory_space<vmem_shared>>
      %dma_start3A_110 = arith.constant 0 : i32
      %dma_start3A_111 = tpu.memref_slice %arg20[%add3A_40, %dma_start3A_110] : memref<10240x128xf32, #tpu.memory_space<vmem_shared>> -> memref<64x128xf32, #tpu.memory_space<vmem_shared>>
      tpu.enqueue_dma source(%arg11 : memref<64x128xf32, #tpu.memory_space<vmem>>) target(%dma_start3A_111 : memref<64x128xf32, #tpu.memory_space<vmem_shared>>) target_semaphore(%run_scoped3A : memref<!tpu.dma_semaphore, #tpu.memory_space<semaphore_mem>>)
      %dma_wait3A_112 = arith.constant 0 : i32
      %dma_wait3A_113 = tpu.memref_slice %arg20[%add3A_40, %dma_wait3A_112] : memref<10240x128xf32, #tpu.memory_space<vmem_shared>> -> memref<64x128xf32, #tpu.memory_space<vmem_shared>>
      %dma_wait3A_114 = arith.constant 0 : i32
      %dma_wait3A_115 = tpu.memref_slice %arg20[%add3A_40, %dma_wait3A_114] : memref<10240x128xf32, #tpu.memory_space<vmem_shared>> -> memref<64x128xf32, #tpu.memory_space<vmem_shared>>
      tpu.wait_dma2 semaphore(%run_scoped3A : memref<!tpu.dma_semaphore, #tpu.memory_space<semaphore_mem>>) src(%arg11 : memref<64x128xf32, #tpu.memory_space<vmem>>) dst(%dma_wait3A_115 : memref<64x128xf32, #tpu.memory_space<vmem_shared>>)
      tpu.yield
    }) : () -> ()
    %add3A_41 = arith.constant 128 : i32
    %add3A_42 = arith.addi %mul3A_36, %add3A_41 : i32
    "tpu.region"() ({
      %run_scoped3A = tpu.sem_alloc : memref<!tpu.dma_semaphore, #tpu.memory_space<semaphore_mem>>
      %dma_start3A_108 = arith.constant 0 : i32
      %dma_start3A_109 = tpu.memref_slice %arg20[%add3A_42, %dma_start3A_108] : memref<10240x128xf32, #tpu.memory_space<vmem_shared>> -> memref<64x128xf32, #tpu.memory_space<vmem_shared>>
      %dma_start3A_110 = arith.constant 0 : i32
      %dma_start3A_111 = tpu.memref_slice %arg20[%add3A_42, %dma_start3A_110] : memref<10240x128xf32, #tpu.memory_space<vmem_shared>> -> memref<64x128xf32, #tpu.memory_space<vmem_shared>>
      tpu.enqueue_dma source(%arg11 : memref<64x128xf32, #tpu.memory_space<vmem>>) target(%dma_start3A_111 : memref<64x128xf32, #tpu.memory_space<vmem_shared>>) target_semaphore(%run_scoped3A : memref<!tpu.dma_semaphore, #tpu.memory_space<semaphore_mem>>)
      %dma_wait3A_112 = arith.constant 0 : i32
      %dma_wait3A_113 = tpu.memref_slice %arg20[%add3A_42, %dma_wait3A_112] : memref<10240x128xf32, #tpu.memory_space<vmem_shared>> -> memref<64x128xf32, #tpu.memory_space<vmem_shared>>
      %dma_wait3A_114 = arith.constant 0 : i32
      %dma_wait3A_115 = tpu.memref_slice %arg20[%add3A_42, %dma_wait3A_114] : memref<10240x128xf32, #tpu.memory_space<vmem_shared>> -> memref<64x128xf32, #tpu.memory_space<vmem_shared>>
      tpu.wait_dma2 semaphore(%run_scoped3A : memref<!tpu.dma_semaphore, #tpu.memory_space<semaphore_mem>>) src(%arg11 : memref<64x128xf32, #tpu.memory_space<vmem>>) dst(%dma_wait3A_115 : memref<64x128xf32, #tpu.memory_space<vmem_shared>>)
      tpu.yield
    }) : () -> ()
    %add3A_43 = arith.constant 192 : i32
    %add3A_44 = arith.addi %mul3A_36, %add3A_43 : i32
    "tpu.region"() ({
      %run_scoped3A = tpu.sem_alloc : memref<!tpu.dma_semaphore, #tpu.memory_space<semaphore_mem>>
      %dma_start3A_108 = arith.constant 0 : i32
      %dma_start3A_109 = tpu.memref_slice %arg20[%add3A_44, %dma_start3A_108] : memref<10240x128xf32, #tpu.memory_space<vmem_shared>> -> memref<64x128xf32, #tpu.memory_space<vmem_shared>>
      %dma_start3A_110 = arith.constant 0 : i32
      %dma_start3A_111 = tpu.memref_slice %arg20[%add3A_44, %dma_start3A_110] : memref<10240x128xf32, #tpu.memory_space<vmem_shared>> -> memref<64x128xf32, #tpu.memory_space<vmem_shared>>
      tpu.enqueue_dma source(%arg11 : memref<64x128xf32, #tpu.memory_space<vmem>>) target(%dma_start3A_111 : memref<64x128xf32, #tpu.memory_space<vmem_shared>>) target_semaphore(%run_scoped3A : memref<!tpu.dma_semaphore, #tpu.memory_space<semaphore_mem>>)
      %dma_wait3A_112 = arith.constant 0 : i32
      %dma_wait3A_113 = tpu.memref_slice %arg20[%add3A_44, %dma_wait3A_112] : memref<10240x128xf32, #tpu.memory_space<vmem_shared>> -> memref<64x128xf32, #tpu.memory_space<vmem_shared>>
      %dma_wait3A_114 = arith.constant 0 : i32
      %dma_wait3A_115 = tpu.memref_slice %arg20[%add3A_44, %dma_wait3A_114] : memref<10240x128xf32, #tpu.memory_space<vmem_shared>> -> memref<64x128xf32, #tpu.memory_space<vmem_shared>>
      tpu.wait_dma2 semaphore(%run_scoped3A : memref<!tpu.dma_semaphore, #tpu.memory_space<semaphore_mem>>) src(%arg11 : memref<64x128xf32, #tpu.memory_space<vmem>>) dst(%dma_wait3A_115 : memref<64x128xf32, #tpu.memory_space<vmem_shared>>)
      tpu.yield
    }) : () -> ()
    %add3A_45 = arith.constant 256 : i32
    %add3A_46 = arith.addi %mul3A_36, %add3A_45 : i32
    "tpu.region"() ({
      %run_scoped3A = tpu.sem_alloc : memref<!tpu.dma_semaphore, #tpu.memory_space<semaphore_mem>>
      %dma_start3A_108 = arith.constant 0 : i32
      %dma_start3A_109 = tpu.memref_slice %arg20[%add3A_46, %dma_start3A_108] : memref<10240x128xf32, #tpu.memory_space<vmem_shared>> -> memref<64x128xf32, #tpu.memory_space<vmem_shared>>
      %dma_start3A_110 = arith.constant 0 : i32
      %dma_start3A_111 = tpu.memref_slice %arg20[%add3A_46, %dma_start3A_110] : memref<10240x128xf32, #tpu.memory_space<vmem_shared>> -> memref<64x128xf32, #tpu.memory_space<vmem_shared>>
      tpu.enqueue_dma source(%arg11 : memref<64x128xf32, #tpu.memory_space<vmem>>) target(%dma_start3A_111 : memref<64x128xf32, #tpu.memory_space<vmem_shared>>) target_semaphore(%run_scoped3A : memref<!tpu.dma_semaphore, #tpu.memory_space<semaphore_mem>>)
      %dma_wait3A_112 = arith.constant 0 : i32
      %dma_wait3A_113 = tpu.memref_slice %arg20[%add3A_46, %dma_wait3A_112] : memref<10240x128xf32, #tpu.memory_space<vmem_shared>> -> memref<64x128xf32, #tpu.memory_space<vmem_shared>>
      %dma_wait3A_114 = arith.constant 0 : i32
      %dma_wait3A_115 = tpu.memref_slice %arg20[%add3A_46, %dma_wait3A_114] : memref<10240x128xf32, #tpu.memory_space<vmem_shared>> -> memref<64x128xf32, #tpu.memory_space<vmem_shared>>
      tpu.wait_dma2 semaphore(%run_scoped3A : memref<!tpu.dma_semaphore, #tpu.memory_space<semaphore_mem>>) src(%arg11 : memref<64x128xf32, #tpu.memory_space<vmem>>) dst(%dma_wait3A_115 : memref<64x128xf32, #tpu.memory_space<vmem_shared>>)
      tpu.yield
    }) : () -> ()
    %add3A_47 = arith.constant 320 : i32
    %add3A_48 = arith.addi %mul3A_36, %add3A_47 : i32
    "tpu.region"() ({
      %run_scoped3A = tpu.sem_alloc : memref<!tpu.dma_semaphore, #tpu.memory_space<semaphore_mem>>
      %dma_start3A_108 = arith.constant 0 : i32
      %dma_start3A_109 = tpu.memref_slice %arg20[%add3A_48, %dma_start3A_108] : memref<10240x128xf32, #tpu.memory_space<vmem_shared>> -> memref<64x128xf32, #tpu.memory_space<vmem_shared>>
      %dma_start3A_110 = arith.constant 0 : i32
      %dma_start3A_111 = tpu.memref_slice %arg20[%add3A_48, %dma_start3A_110] : memref<10240x128xf32, #tpu.memory_space<vmem_shared>> -> memref<64x128xf32, #tpu.memory_space<vmem_shared>>
      tpu.enqueue_dma source(%arg11 : memref<64x128xf32, #tpu.memory_space<vmem>>) target(%dma_start3A_111 : memref<64x128xf32, #tpu.memory_space<vmem_shared>>) target_semaphore(%run_scoped3A : memref<!tpu.dma_semaphore, #tpu.memory_space<semaphore_mem>>)
      %dma_wait3A_112 = arith.constant 0 : i32
      %dma_wait3A_113 = tpu.memref_slice %arg20[%add3A_48, %dma_wait3A_112] : memref<10240x128xf32, #tpu.memory_space<vmem_shared>> -> memref<64x128xf32, #tpu.memory_space<vmem_shared>>
      %dma_wait3A_114 = arith.constant 0 : i32
      %dma_wait3A_115 = tpu.memref_slice %arg20[%add3A_48, %dma_wait3A_114] : memref<10240x128xf32, #tpu.memory_space<vmem_shared>> -> memref<64x128xf32, #tpu.memory_space<vmem_shared>>
      tpu.wait_dma2 semaphore(%run_scoped3A : memref<!tpu.dma_semaphore, #tpu.memory_space<semaphore_mem>>) src(%arg11 : memref<64x128xf32, #tpu.memory_space<vmem>>) dst(%dma_wait3A_115 : memref<64x128xf32, #tpu.memory_space<vmem_shared>>)
      tpu.yield
    }) : () -> ()
    %add3A_49 = arith.constant 384 : i32
    %add3A_50 = arith.addi %mul3A_36, %add3A_49 : i32
    "tpu.region"() ({
      %run_scoped3A = tpu.sem_alloc : memref<!tpu.dma_semaphore, #tpu.memory_space<semaphore_mem>>
      %dma_start3A_108 = arith.constant 0 : i32
      %dma_start3A_109 = tpu.memref_slice %arg20[%add3A_50, %dma_start3A_108] : memref<10240x128xf32, #tpu.memory_space<vmem_shared>> -> memref<64x128xf32, #tpu.memory_space<vmem_shared>>
      %dma_start3A_110 = arith.constant 0 : i32
      %dma_start3A_111 = tpu.memref_slice %arg20[%add3A_50, %dma_start3A_110] : memref<10240x128xf32, #tpu.memory_space<vmem_shared>> -> memref<64x128xf32, #tpu.memory_space<vmem_shared>>
      tpu.enqueue_dma source(%arg11 : memref<64x128xf32, #tpu.memory_space<vmem>>) target(%dma_start3A_111 : memref<64x128xf32, #tpu.memory_space<vmem_shared>>) target_semaphore(%run_scoped3A : memref<!tpu.dma_semaphore, #tpu.memory_space<semaphore_mem>>)
      %dma_wait3A_112 = arith.constant 0 : i32
      %dma_wait3A_113 = tpu.memref_slice %arg20[%add3A_50, %dma_wait3A_112] : memref<10240x128xf32, #tpu.memory_space<vmem_shared>> -> memref<64x128xf32, #tpu.memory_space<vmem_shared>>
      %dma_wait3A_114 = arith.constant 0 : i32
      %dma_wait3A_115 = tpu.memref_slice %arg20[%add3A_50, %dma_wait3A_114] : memref<10240x128xf32, #tpu.memory_space<vmem_shared>> -> memref<64x128xf32, #tpu.memory_space<vmem_shared>>
      tpu.wait_dma2 semaphore(%run_scoped3A : memref<!tpu.dma_semaphore, #tpu.memory_space<semaphore_mem>>) src(%arg11 : memref<64x128xf32, #tpu.memory_space<vmem>>) dst(%dma_wait3A_115 : memref<64x128xf32, #tpu.memory_space<vmem_shared>>)
      tpu.yield
    }) : () -> ()
    %add3A_51 = arith.constant 448 : i32
    %add3A_52 = arith.addi %mul3A_36, %add3A_51 : i32
    "tpu.region"() ({
      %run_scoped3A = tpu.sem_alloc : memref<!tpu.dma_semaphore, #tpu.memory_space<semaphore_mem>>
      %dma_start3A_108 = arith.constant 0 : i32
      %dma_start3A_109 = tpu.memref_slice %arg20[%add3A_52, %dma_start3A_108] : memref<10240x128xf32, #tpu.memory_space<vmem_shared>> -> memref<64x128xf32, #tpu.memory_space<vmem_shared>>
      %dma_start3A_110 = arith.constant 0 : i32
      %dma_start3A_111 = tpu.memref_slice %arg20[%add3A_52, %dma_start3A_110] : memref<10240x128xf32, #tpu.memory_space<vmem_shared>> -> memref<64x128xf32, #tpu.memory_space<vmem_shared>>
      tpu.enqueue_dma source(%arg11 : memref<64x128xf32, #tpu.memory_space<vmem>>) target(%dma_start3A_111 : memref<64x128xf32, #tpu.memory_space<vmem_shared>>) target_semaphore(%run_scoped3A : memref<!tpu.dma_semaphore, #tpu.memory_space<semaphore_mem>>)
      %dma_wait3A_112 = arith.constant 0 : i32
      %dma_wait3A_113 = tpu.memref_slice %arg20[%add3A_52, %dma_wait3A_112] : memref<10240x128xf32, #tpu.memory_space<vmem_shared>> -> memref<64x128xf32, #tpu.memory_space<vmem_shared>>
      %dma_wait3A_114 = arith.constant 0 : i32
      %dma_wait3A_115 = tpu.memref_slice %arg20[%add3A_52, %dma_wait3A_114] : memref<10240x128xf32, #tpu.memory_space<vmem_shared>> -> memref<64x128xf32, #tpu.memory_space<vmem_shared>>
      tpu.wait_dma2 semaphore(%run_scoped3A : memref<!tpu.dma_semaphore, #tpu.memory_space<semaphore_mem>>) src(%arg11 : memref<64x128xf32, #tpu.memory_space<vmem>>) dst(%dma_wait3A_115 : memref<64x128xf32, #tpu.memory_space<vmem_shared>>)
      tpu.yield
    }) : () -> ()
    %add3A_53 = arith.constant 512 : i32
    %add3A_54 = arith.addi %mul3A_36, %add3A_53 : i32
    "tpu.region"() ({
      %run_scoped3A = tpu.sem_alloc : memref<!tpu.dma_semaphore, #tpu.memory_space<semaphore_mem>>
      %dma_start3A_108 = arith.constant 0 : i32
      %dma_start3A_109 = tpu.memref_slice %arg20[%add3A_54, %dma_start3A_108] : memref<10240x128xf32, #tpu.memory_space<vmem_shared>> -> memref<64x128xf32, #tpu.memory_space<vmem_shared>>
      %dma_start3A_110 = arith.constant 0 : i32
      %dma_start3A_111 = tpu.memref_slice %arg20[%add3A_54, %dma_start3A_110] : memref<10240x128xf32, #tpu.memory_space<vmem_shared>> -> memref<64x128xf32, #tpu.memory_space<vmem_shared>>
      tpu.enqueue_dma source(%arg11 : memref<64x128xf32, #tpu.memory_space<vmem>>) target(%dma_start3A_111 : memref<64x128xf32, #tpu.memory_space<vmem_shared>>) target_semaphore(%run_scoped3A : memref<!tpu.dma_semaphore, #tpu.memory_space<semaphore_mem>>)
      %dma_wait3A_112 = arith.constant 0 : i32
      %dma_wait3A_113 = tpu.memref_slice %arg20[%add3A_54, %dma_wait3A_112] : memref<10240x128xf32, #tpu.memory_space<vmem_shared>> -> memref<64x128xf32, #tpu.memory_space<vmem_shared>>
      %dma_wait3A_114 = arith.constant 0 : i32
      %dma_wait3A_115 = tpu.memref_slice %arg20[%add3A_54, %dma_wait3A_114] : memref<10240x128xf32, #tpu.memory_space<vmem_shared>> -> memref<64x128xf32, #tpu.memory_space<vmem_shared>>
      tpu.wait_dma2 semaphore(%run_scoped3A : memref<!tpu.dma_semaphore, #tpu.memory_space<semaphore_mem>>) src(%arg11 : memref<64x128xf32, #tpu.memory_space<vmem>>) dst(%dma_wait3A_115 : memref<64x128xf32, #tpu.memory_space<vmem_shared>>)
      tpu.yield
    }) : () -> ()
    %add3A_55 = arith.constant 576 : i32
    %add3A_56 = arith.addi %mul3A_36, %add3A_55 : i32
    "tpu.region"() ({
      %run_scoped3A = tpu.sem_alloc : memref<!tpu.dma_semaphore, #tpu.memory_space<semaphore_mem>>
      %dma_start3A_108 = arith.constant 0 : i32
      %dma_start3A_109 = tpu.memref_slice %arg20[%add3A_56, %dma_start3A_108] : memref<10240x128xf32, #tpu.memory_space<vmem_shared>> -> memref<64x128xf32, #tpu.memory_space<vmem_shared>>
      %dma_start3A_110 = arith.constant 0 : i32
      %dma_start3A_111 = tpu.memref_slice %arg20[%add3A_56, %dma_start3A_110] : memref<10240x128xf32, #tpu.memory_space<vmem_shared>> -> memref<64x128xf32, #tpu.memory_space<vmem_shared>>
      tpu.enqueue_dma source(%arg11 : memref<64x128xf32, #tpu.memory_space<vmem>>) target(%dma_start3A_111 : memref<64x128xf32, #tpu.memory_space<vmem_shared>>) target_semaphore(%run_scoped3A : memref<!tpu.dma_semaphore, #tpu.memory_space<semaphore_mem>>)
      %dma_wait3A_112 = arith.constant 0 : i32
      %dma_wait3A_113 = tpu.memref_slice %arg20[%add3A_56, %dma_wait3A_112] : memref<10240x128xf32, #tpu.memory_space<vmem_shared>> -> memref<64x128xf32, #tpu.memory_space<vmem_shared>>
      %dma_wait3A_114 = arith.constant 0 : i32
      %dma_wait3A_115 = tpu.memref_slice %arg20[%add3A_56, %dma_wait3A_114] : memref<10240x128xf32, #tpu.memory_space<vmem_shared>> -> memref<64x128xf32, #tpu.memory_space<vmem_shared>>
      tpu.wait_dma2 semaphore(%run_scoped3A : memref<!tpu.dma_semaphore, #tpu.memory_space<semaphore_mem>>) src(%arg11 : memref<64x128xf32, #tpu.memory_space<vmem>>) dst(%dma_wait3A_115 : memref<64x128xf32, #tpu.memory_space<vmem_shared>>)
      tpu.yield
    }) : () -> ()
    "tpu.region"() ({
      %run_scoped3A = tpu.sem_alloc : memref<!tpu.dma_semaphore, #tpu.memory_space<semaphore_mem>>
      %dma_start3A_108 = tpu.memref_slice %arg21[%mul3A_36] : memref<10240xf32, #tpu.memory_space<vmem_shared>> -> memref<640xf32, #tpu.memory_space<vmem_shared>>
      %dma_start3A_109 = tpu.memref_slice %arg21[%mul3A_36] : memref<10240xf32, #tpu.memory_space<vmem_shared>> -> memref<640xf32, #tpu.memory_space<vmem_shared>>
      tpu.enqueue_dma source(%arg19 : memref<640xf32, #tpu.memory_space<vmem>>) target(%dma_start3A_109 : memref<640xf32, #tpu.memory_space<vmem_shared>>) target_semaphore(%run_scoped3A : memref<!tpu.dma_semaphore, #tpu.memory_space<semaphore_mem>>)
      %dma_wait3A_110 = tpu.memref_slice %arg21[%mul3A_36] : memref<10240xf32, #tpu.memory_space<vmem_shared>> -> memref<640xf32, #tpu.memory_space<vmem_shared>>
      %dma_wait3A_111 = tpu.memref_slice %arg21[%mul3A_36] : memref<10240xf32, #tpu.memory_space<vmem_shared>> -> memref<640xf32, #tpu.memory_space<vmem_shared>>
      tpu.wait_dma2 semaphore(%run_scoped3A : memref<!tpu.dma_semaphore, #tpu.memory_space<semaphore_mem>>) src(%arg19 : memref<640xf32, #tpu.memory_space<vmem>>) dst(%dma_wait3A_111 : memref<640xf32, #tpu.memory_space<vmem_shared>>)
      tpu.yield
    }) : () -> ()
    %barrier3A = arith.constant 0 : index
    tpu.barrier barrier_id(%barrier3A)
    %add3A_57 = arith.constant 320000 : i32
    %add3A_58 = arith.addi %add3A_57, %mul3A_2 : i32
    %add3A_59 = arith.constant 0 : i32
    %add3A_60 = arith.addi %add3A_58, %add3A_59 : i32
    %dma_start3A = tpu.memref_slice %arg3[%add3A_60] : memref<640000xi32, #tpu.memory_space<hbm>> -> memref<64xi32, #tpu.memory_space<hbm>>
    %dma_start3A_61 = tpu.memref_slice %arg3[%add3A_60] : memref<640000xi32, #tpu.memory_space<hbm>> -> memref<64xi32, #tpu.memory_space<hbm>>
    tpu.enqueue_dma source(%dma_start3A_61 : memref<64xi32, #tpu.memory_space<hbm>>) target(%arg7 : memref<64xi32, #tpu.memory_space<vmem>>) target_semaphore(%arg22 : memref<!tpu.dma_semaphore, #tpu.memory_space<semaphore_mem>>)
    %dma_start3A_62 = arith.constant 0 : i32
    %dma_start3A_63 = tpu.memref_slice %arg6[%dma_start3A_62] : memref<10000xi32, #tpu.memory_space<vmem>> -> memref<64xi32, #tpu.memory_space<vmem>>
    %dma_start3A_64 = arith.constant 0 : i32
    %dma_start3A_65 = arith.constant 0 : i32
    %dma_start3A_66 = tpu.memref_slice %arg2[%dma_start3A_64, %dma_start3A_65] : memref<10000x128xf32, #tpu.memory_space<hbm>> -> memref<10000x128xf32, #tpu.memory_space<hbm>>
    tpu.enqueue_indirect_dma source(%dma_start3A_66 : memref<10000x128xf32, #tpu.memory_space<hbm>>) target(%arg11 : memref<64x128xf32, #tpu.memory_space<vmem>>) offsets(%dma_start3A_63 : memref<64xi32, #tpu.memory_space<vmem>>) semaphore(%arg26 : memref<!tpu.dma_semaphore, #tpu.memory_space<semaphore_mem>>)
    %add3A_67 = arith.constant 320000 : i32
    %add3A_68 = arith.addi %add3A_67, %mul3A_2 : i32
    %add3A_69 = arith.constant 64 : i32
    %add3A_70 = arith.addi %add3A_68, %add3A_69 : i32
    %dma_start3A_71 = tpu.memref_slice %arg3[%add3A_70] : memref<640000xi32, #tpu.memory_space<hbm>> -> memref<64xi32, #tpu.memory_space<hbm>>
    %dma_start3A_72 = tpu.memref_slice %arg3[%add3A_70] : memref<640000xi32, #tpu.memory_space<hbm>> -> memref<64xi32, #tpu.memory_space<hbm>>
    tpu.enqueue_dma source(%dma_start3A_72 : memref<64xi32, #tpu.memory_space<hbm>>) target(%arg8 : memref<64xi32, #tpu.memory_space<vmem>>) target_semaphore(%arg23 : memref<!tpu.dma_semaphore, #tpu.memory_space<semaphore_mem>>)
    %dma_start3A_73 = arith.constant 64 : i32
    %dma_start3A_74 = tpu.memref_slice %arg6[%dma_start3A_73] : memref<10000xi32, #tpu.memory_space<vmem>> -> memref<64xi32, #tpu.memory_space<vmem>>
    %dma_start3A_75 = arith.constant 0 : i32
    %dma_start3A_76 = arith.constant 0 : i32
    %dma_start3A_77 = tpu.memref_slice %arg2[%dma_start3A_75, %dma_start3A_76] : memref<10000x128xf32, #tpu.memory_space<hbm>> -> memref<10000x128xf32, #tpu.memory_space<hbm>>
    tpu.enqueue_indirect_dma source(%dma_start3A_77 : memref<10000x128xf32, #tpu.memory_space<hbm>>) target(%arg12 : memref<64x128xf32, #tpu.memory_space<vmem>>) offsets(%dma_start3A_74 : memref<64xi32, #tpu.memory_space<vmem>>) semaphore(%arg27 : memref<!tpu.dma_semaphore, #tpu.memory_space<semaphore_mem>>)
    %scan3A_78 = arith.constant 0 : i32
    %scan3A_79 = arith.constant 0 : i32
    %scan3A_80 = arith.constant 39 : i32
    %scan3A_81 = arith.addi %scan3A_79, %scan3A_80 : i32
    %scan3A_82 = arith.constant 1 : i32
    scf.for %scan3A_108 = %scan3A_79 to %scan3A_81 step %scan3A_82  : i32 {
      %mul3A_109 = arith.constant 4 : i32
      %mul3A_110 = arith.muli %scan3A_108, %mul3A_109 : i32
      %add3A_111 = arith.constant 0 : i32
      %add3A_112 = arith.addi %mul3A_110, %add3A_111 : i32
      %add3A_113 = arith.constant 320000 : i32
      %add3A_114 = arith.addi %add3A_113, %mul3A_2 : i32
      %mul3A_115 = arith.constant 64 : i32
      %mul3A_116 = arith.muli %add3A_112, %mul3A_115 : i32
      %add3A_117 = arith.addi %add3A_114, %mul3A_116 : i32
      %dma_wait3A_118 = tpu.memref_slice %arg3[%add3A_117] : memref<640000xi32, #tpu.memory_space<hbm>> -> memref<64xi32, #tpu.memory_space<hbm>>
      %dma_wait3A_119 = tpu.memref_slice %arg3[%add3A_117] : memref<640000xi32, #tpu.memory_space<hbm>> -> memref<64xi32, #tpu.memory_space<hbm>>
      tpu.wait_dma2 semaphore(%arg22 : memref<!tpu.dma_semaphore, #tpu.memory_space<semaphore_mem>>) src(%dma_wait3A_119 : memref<64xi32, #tpu.memory_space<hbm>>) dst(%arg7 : memref<64xi32, #tpu.memory_space<vmem>>)
      %mul3A_120 = arith.constant 64 : i32
      %mul3A_121 = arith.muli %add3A_112, %mul3A_120 : i32
      %dma_wait3A_122 = tpu.memref_slice %arg6[%mul3A_121] : memref<10000xi32, #tpu.memory_space<vmem>> -> memref<64xi32, #tpu.memory_space<vmem>>
      %dma_wait3A_123 = arith.constant 0 : i32
      %dma_wait3A_124 = arith.constant 0 : i32
      %dma_wait3A_125 = tpu.memref_slice %arg2[%dma_wait3A_123, %dma_wait3A_124] : memref<10000x128xf32, #tpu.memory_space<hbm>> -> memref<10000x128xf32, #tpu.memory_space<hbm>>
      tpu.wait_indirect_dma semaphore(%arg26 : memref<!tpu.dma_semaphore, #tpu.memory_space<semaphore_mem>>) src(%dma_wait3A_125 : memref<10000x128xf32, #tpu.memory_space<hbm>>) dst(%arg11 : memref<64x128xf32, #tpu.memory_space<vmem>>)
      %dma_start3A_126 = arith.constant 0 : i32
      %dma_start3A_127 = arith.constant 0 : i32
      %dma_start3A_128 = tpu.memref_slice %arg20[%dma_start3A_126, %dma_start3A_127] : memref<10240x128xf32, #tpu.memory_space<vmem_shared>> -> memref<10240x128xf32, #tpu.memory_space<vmem_shared>>
      tpu.enqueue_indirect_dma source(%arg11 : memref<64x128xf32, #tpu.memory_space<vmem>>) target(%dma_start3A_128 : memref<10240x128xf32, #tpu.memory_space<vmem_shared>>) offsets(%arg7 : memref<64xi32, #tpu.memory_space<vmem>>) semaphore(%arg30 : memref<!tpu.dma_semaphore, #tpu.memory_space<semaphore_mem>>) {add = true}
      %dma_start3A_129 = arith.constant 0 : i32
      %dma_start3A_130 = tpu.memref_slice %arg21[%dma_start3A_129] : memref<10240xf32, #tpu.memory_space<vmem_shared>> -> memref<10240xf32, #tpu.memory_space<vmem_shared>>
      tpu.enqueue_indirect_dma source(%arg15 : memref<64xf32, #tpu.memory_space<vmem>>) target(%dma_start3A_130 : memref<10240xf32, #tpu.memory_space<vmem_shared>>) offsets(%arg7 : memref<64xi32, #tpu.memory_space<vmem>>) semaphore(%arg30 : memref<!tpu.dma_semaphore, #tpu.memory_space<semaphore_mem>>) {add = true}
      %lt3A = arith.constant 154 : i32
      %lt3A_131 = arith.cmpi slt, %add3A_112, %lt3A : i32
      %convert_element_type3A = arith.extui %lt3A_131 : i1 to i32
      %cond3A = arith.constant 0 : i32
      %cond3A_132 = arith.cmpi ne, %convert_element_type3A, %cond3A : i32
      scf.if %cond3A_132 {
        %ge3A = arith.constant 1 : i32
        %ge3A_214 = arith.cmpi sge, %scan3A_108, %ge3A : i32
        %convert_element_type3A_215 = arith.extui %ge3A_214 : i1 to i32
        %cond3A_216 = arith.constant 0 : i32
        %cond3A_217 = arith.cmpi ne, %convert_element_type3A_215, %cond3A_216 : i32
        scf.if %cond3A_217 {
          %dma_wait3A_233 = arith.constant 0 : i32
          %dma_wait3A_234 = arith.constant 0 : i32
          %dma_wait3A_235 = tpu.memref_slice %arg20[%dma_wait3A_233, %dma_wait3A_234] : memref<10240x128xf32, #tpu.memory_space<vmem_shared>> -> memref<10240x128xf32, #tpu.memory_space<vmem_shared>>
          tpu.wait_indirect_dma semaphore(%arg32 : memref<!tpu.dma_semaphore, #tpu.memory_space<semaphore_mem>>) src(%arg13 : memref<64x128xf32, #tpu.memory_space<vmem>>) dst(%dma_wait3A_235 : memref<10240x128xf32, #tpu.memory_space<vmem_shared>>)
          %dma_wait3A_236 = arith.constant 0 : i32
          %dma_wait3A_237 = tpu.memref_slice %arg21[%dma_wait3A_236] : memref<10240xf32, #tpu.memory_space<vmem_shared>> -> memref<10240xf32, #tpu.memory_space<vmem_shared>>
          tpu.wait_indirect_dma semaphore(%arg32 : memref<!tpu.dma_semaphore, #tpu.memory_space<semaphore_mem>>) src(%arg15 : memref<64xf32, #tpu.memory_space<vmem>>) dst(%dma_wait3A_237 : memref<10240xf32, #tpu.memory_space<vmem_shared>>)
        } else {
        }
        %add3A_218 = arith.constant 2 : i32
        %add3A_219 = arith.addi %add3A_112, %add3A_218 : i32
        %add3A_220 = arith.constant 320000 : i32
        %add3A_221 = arith.addi %add3A_220, %mul3A_2 : i32
        %mul3A_222 = arith.constant 64 : i32
        %mul3A_223 = arith.muli %add3A_219, %mul3A_222 : i32
        %add3A_224 = arith.addi %add3A_221, %mul3A_223 : i32
        %dma_start3A_225 = tpu.memref_slice %arg3[%add3A_224] : memref<640000xi32, #tpu.memory_space<hbm>> -> memref<64xi32, #tpu.memory_space<hbm>>
        %dma_start3A_226 = tpu.memref_slice %arg3[%add3A_224] : memref<640000xi32, #tpu.memory_space<hbm>> -> memref<64xi32, #tpu.memory_space<hbm>>
        tpu.enqueue_dma source(%dma_start3A_226 : memref<64xi32, #tpu.memory_space<hbm>>) target(%arg9 : memref<64xi32, #tpu.memory_space<vmem>>) target_semaphore(%arg24 : memref<!tpu.dma_semaphore, #tpu.memory_space<semaphore_mem>>)
        %mul3A_227 = arith.constant 64 : i32
        %mul3A_228 = arith.muli %add3A_219, %mul3A_227 : i32
        %dma_start3A_229 = tpu.memref_slice %arg6[%mul3A_228] : memref<10000xi32, #tpu.memory_space<vmem>> -> memref<64xi32, #tpu.memory_space<vmem>>
        %dma_start3A_230 = arith.constant 0 : i32
        %dma_start3A_231 = arith.constant 0 : i32
        %dma_start3A_232 = tpu.memref_slice %arg2[%dma_start3A_230, %dma_start3A_231] : memref<10000x128xf32, #tpu.memory_space<hbm>> -> memref<10000x128xf32, #tpu.memory_space<hbm>>
        tpu.enqueue_indirect_dma source(%dma_start3A_232 : memref<10000x128xf32, #tpu.memory_space<hbm>>) target(%arg13 : memref<64x128xf32, #tpu.memory_space<vmem>>) offsets(%dma_start3A_229 : memref<64xi32, #tpu.memory_space<vmem>>) semaphore(%arg28 : memref<!tpu.dma_semaphore, #tpu.memory_space<semaphore_mem>>)
      } else {
      }
      %mul3A_133 = arith.constant 4 : i32
      %mul3A_134 = arith.muli %scan3A_108, %mul3A_133 : i32
      %add3A_135 = arith.constant 1 : i32
      %add3A_136 = arith.addi %mul3A_134, %add3A_135 : i32
      %add3A_137 = arith.constant 320000 : i32
      %add3A_138 = arith.addi %add3A_137, %mul3A_2 : i32
      %mul3A_139 = arith.constant 64 : i32
      %mul3A_140 = arith.muli %add3A_136, %mul3A_139 : i32
      %add3A_141 = arith.addi %add3A_138, %mul3A_140 : i32
      %dma_wait3A_142 = tpu.memref_slice %arg3[%add3A_141] : memref<640000xi32, #tpu.memory_space<hbm>> -> memref<64xi32, #tpu.memory_space<hbm>>
      %dma_wait3A_143 = tpu.memref_slice %arg3[%add3A_141] : memref<640000xi32, #tpu.memory_space<hbm>> -> memref<64xi32, #tpu.memory_space<hbm>>
      tpu.wait_dma2 semaphore(%arg23 : memref<!tpu.dma_semaphore, #tpu.memory_space<semaphore_mem>>) src(%dma_wait3A_143 : memref<64xi32, #tpu.memory_space<hbm>>) dst(%arg8 : memref<64xi32, #tpu.memory_space<vmem>>)
      %mul3A_144 = arith.constant 64 : i32
      %mul3A_145 = arith.muli %add3A_136, %mul3A_144 : i32
      %dma_wait3A_146 = tpu.memref_slice %arg6[%mul3A_145] : memref<10000xi32, #tpu.memory_space<vmem>> -> memref<64xi32, #tpu.memory_space<vmem>>
      %dma_wait3A_147 = arith.constant 0 : i32
      %dma_wait3A_148 = arith.constant 0 : i32
      %dma_wait3A_149 = tpu.memref_slice %arg2[%dma_wait3A_147, %dma_wait3A_148] : memref<10000x128xf32, #tpu.memory_space<hbm>> -> memref<10000x128xf32, #tpu.memory_space<hbm>>
      tpu.wait_indirect_dma semaphore(%arg27 : memref<!tpu.dma_semaphore, #tpu.memory_space<semaphore_mem>>) src(%dma_wait3A_149 : memref<10000x128xf32, #tpu.memory_space<hbm>>) dst(%arg12 : memref<64x128xf32, #tpu.memory_space<vmem>>)
      %dma_start3A_150 = arith.constant 0 : i32
      %dma_start3A_151 = arith.constant 0 : i32
      %dma_start3A_152 = tpu.memref_slice %arg20[%dma_start3A_150, %dma_start3A_151] : memref<10240x128xf32, #tpu.memory_space<vmem_shared>> -> memref<10240x128xf32, #tpu.memory_space<vmem_shared>>
      tpu.enqueue_indirect_dma source(%arg12 : memref<64x128xf32, #tpu.memory_space<vmem>>) target(%dma_start3A_152 : memref<10240x128xf32, #tpu.memory_space<vmem_shared>>) offsets(%arg8 : memref<64xi32, #tpu.memory_space<vmem>>) semaphore(%arg31 : memref<!tpu.dma_semaphore, #tpu.memory_space<semaphore_mem>>) {add = true}
      %dma_start3A_153 = arith.constant 0 : i32
      %dma_start3A_154 = tpu.memref_slice %arg21[%dma_start3A_153] : memref<10240xf32, #tpu.memory_space<vmem_shared>> -> memref<10240xf32, #tpu.memory_space<vmem_shared>>
      tpu.enqueue_indirect_dma source(%arg15 : memref<64xf32, #tpu.memory_space<vmem>>) target(%dma_start3A_154 : memref<10240xf32, #tpu.memory_space<vmem_shared>>) offsets(%arg8 : memref<64xi32, #tpu.memory_space<vmem>>) semaphore(%arg31 : memref<!tpu.dma_semaphore, #tpu.memory_space<semaphore_mem>>) {add = true}
      %lt3A_155 = arith.constant 154 : i32
      %lt3A_156 = arith.cmpi slt, %add3A_136, %lt3A_155 : i32
      %convert_element_type3A_157 = arith.extui %lt3A_156 : i1 to i32
      %cond3A_158 = arith.constant 0 : i32
      %cond3A_159 = arith.cmpi ne, %convert_element_type3A_157, %cond3A_158 : i32
      scf.if %cond3A_159 {
        %ge3A = arith.constant 1 : i32
        %ge3A_214 = arith.cmpi sge, %scan3A_108, %ge3A : i32
        %convert_element_type3A_215 = arith.extui %ge3A_214 : i1 to i32
        %cond3A_216 = arith.constant 0 : i32
        %cond3A_217 = arith.cmpi ne, %convert_element_type3A_215, %cond3A_216 : i32
        scf.if %cond3A_217 {
          %dma_wait3A_233 = arith.constant 0 : i32
          %dma_wait3A_234 = arith.constant 0 : i32
          %dma_wait3A_235 = tpu.memref_slice %arg20[%dma_wait3A_233, %dma_wait3A_234] : memref<10240x128xf32, #tpu.memory_space<vmem_shared>> -> memref<10240x128xf32, #tpu.memory_space<vmem_shared>>
          tpu.wait_indirect_dma semaphore(%arg33 : memref<!tpu.dma_semaphore, #tpu.memory_space<semaphore_mem>>) src(%arg14 : memref<64x128xf32, #tpu.memory_space<vmem>>) dst(%dma_wait3A_235 : memref<10240x128xf32, #tpu.memory_space<vmem_shared>>)
          %dma_wait3A_236 = arith.constant 0 : i32
          %dma_wait3A_237 = tpu.memref_slice %arg21[%dma_wait3A_236] : memref<10240xf32, #tpu.memory_space<vmem_shared>> -> memref<10240xf32, #tpu.memory_space<vmem_shared>>
          tpu.wait_indirect_dma semaphore(%arg33 : memref<!tpu.dma_semaphore, #tpu.memory_space<semaphore_mem>>) src(%arg15 : memref<64xf32, #tpu.memory_space<vmem>>) dst(%dma_wait3A_237 : memref<10240xf32, #tpu.memory_space<vmem_shared>>)
        } else {
        }
        %add3A_218 = arith.constant 2 : i32
        %add3A_219 = arith.addi %add3A_136, %add3A_218 : i32
        %add3A_220 = arith.constant 320000 : i32
        %add3A_221 = arith.addi %add3A_220, %mul3A_2 : i32
        %mul3A_222 = arith.constant 64 : i32
        %mul3A_223 = arith.muli %add3A_219, %mul3A_222 : i32
        %add3A_224 = arith.addi %add3A_221, %mul3A_223 : i32
        %dma_start3A_225 = tpu.memref_slice %arg3[%add3A_224] : memref<640000xi32, #tpu.memory_space<hbm>> -> memref<64xi32, #tpu.memory_space<hbm>>
        %dma_start3A_226 = tpu.memref_slice %arg3[%add3A_224] : memref<640000xi32, #tpu.memory_space<hbm>> -> memref<64xi32, #tpu.memory_space<hbm>>
        tpu.enqueue_dma source(%dma_start3A_226 : memref<64xi32, #tpu.memory_space<hbm>>) target(%arg10 : memref<64xi32, #tpu.memory_space<vmem>>) target_semaphore(%arg25 : memref<!tpu.dma_semaphore, #tpu.memory_space<semaphore_mem>>)
        %mul3A_227 = arith.constant 64 : i32
        %mul3A_228 = arith.muli %add3A_219, %mul3A_227 : i32
        %dma_start3A_229 = tpu.memref_slice %arg6[%mul3A_228] : memref<10000xi32, #tpu.memory_space<vmem>> -> memref<64xi32, #tpu.memory_space<vmem>>
        %dma_start3A_230 = arith.constant 0 : i32
        %dma_start3A_231 = arith.constant 0 : i32
        %dma_start3A_232 = tpu.memref_slice %arg2[%dma_start3A_230, %dma_start3A_231] : memref<10000x128xf32, #tpu.memory_space<hbm>> -> memref<10000x128xf32, #tpu.memory_space<hbm>>
        tpu.enqueue_indirect_dma source(%dma_start3A_232 : memref<10000x128xf32, #tpu.memory_space<hbm>>) target(%arg14 : memref<64x128xf32, #tpu.memory_space<vmem>>) offsets(%dma_start3A_229 : memref<64xi32, #tpu.memory_space<vmem>>) semaphore(%arg29 : memref<!tpu.dma_semaphore, #tpu.memory_space<semaphore_mem>>)
      } else {
      }
      %mul3A_160 = arith.constant 4 : i32
      %mul3A_161 = arith.muli %scan3A_108, %mul3A_160 : i32
      %add3A_162 = arith.constant 2 : i32
      %add3A_163 = arith.addi %mul3A_161, %add3A_162 : i32
      %add3A_164 = arith.constant 320000 : i32
      %add3A_165 = arith.addi %add3A_164, %mul3A_2 : i32
      %mul3A_166 = arith.constant 64 : i32
      %mul3A_167 = arith.muli %add3A_163, %mul3A_166 : i32
      %add3A_168 = arith.addi %add3A_165, %mul3A_167 : i32
      %dma_wait3A_169 = tpu.memref_slice %arg3[%add3A_168] : memref<640000xi32, #tpu.memory_space<hbm>> -> memref<64xi32, #tpu.memory_space<hbm>>
      %dma_wait3A_170 = tpu.memref_slice %arg3[%add3A_168] : memref<640000xi32, #tpu.memory_space<hbm>> -> memref<64xi32, #tpu.memory_space<hbm>>
      tpu.wait_dma2 semaphore(%arg24 : memref<!tpu.dma_semaphore, #tpu.memory_space<semaphore_mem>>) src(%dma_wait3A_170 : memref<64xi32, #tpu.memory_space<hbm>>) dst(%arg9 : memref<64xi32, #tpu.memory_space<vmem>>)
      %mul3A_171 = arith.constant 64 : i32
      %mul3A_172 = arith.muli %add3A_163, %mul3A_171 : i32
      %dma_wait3A_173 = tpu.memref_slice %arg6[%mul3A_172] : memref<10000xi32, #tpu.memory_space<vmem>> -> memref<64xi32, #tpu.memory_space<vmem>>
      %dma_wait3A_174 = arith.constant 0 : i32
      %dma_wait3A_175 = arith.constant 0 : i32
      %dma_wait3A_176 = tpu.memref_slice %arg2[%dma_wait3A_174, %dma_wait3A_175] : memref<10000x128xf32, #tpu.memory_space<hbm>> -> memref<10000x128xf32, #tpu.memory_space<hbm>>
      tpu.wait_indirect_dma semaphore(%arg28 : memref<!tpu.dma_semaphore, #tpu.memory_space<semaphore_mem>>) src(%dma_wait3A_176 : memref<10000x128xf32, #tpu.memory_space<hbm>>) dst(%arg13 : memref<64x128xf32, #tpu.memory_space<vmem>>)
      %dma_start3A_177 = arith.constant 0 : i32
      %dma_start3A_178 = arith.constant 0 : i32
      %dma_start3A_179 = tpu.memref_slice %arg20[%dma_start3A_177, %dma_start3A_178] : memref<10240x128xf32, #tpu.memory_space<vmem_shared>> -> memref<10240x128xf32, #tpu.memory_space<vmem_shared>>
      tpu.enqueue_indirect_dma source(%arg13 : memref<64x128xf32, #tpu.memory_space<vmem>>) target(%dma_start3A_179 : memref<10240x128xf32, #tpu.memory_space<vmem_shared>>) offsets(%arg9 : memref<64xi32, #tpu.memory_space<vmem>>) semaphore(%arg32 : memref<!tpu.dma_semaphore, #tpu.memory_space<semaphore_mem>>) {add = true}
      %dma_start3A_180 = arith.constant 0 : i32
      %dma_start3A_181 = tpu.memref_slice %arg21[%dma_start3A_180] : memref<10240xf32, #tpu.memory_space<vmem_shared>> -> memref<10240xf32, #tpu.memory_space<vmem_shared>>
      tpu.enqueue_indirect_dma source(%arg15 : memref<64xf32, #tpu.memory_space<vmem>>) target(%dma_start3A_181 : memref<10240xf32, #tpu.memory_space<vmem_shared>>) offsets(%arg9 : memref<64xi32, #tpu.memory_space<vmem>>) semaphore(%arg32 : memref<!tpu.dma_semaphore, #tpu.memory_space<semaphore_mem>>) {add = true}
      %lt3A_182 = arith.constant 154 : i32
      %lt3A_183 = arith.cmpi slt, %add3A_163, %lt3A_182 : i32
      %convert_element_type3A_184 = arith.extui %lt3A_183 : i1 to i32
      %cond3A_185 = arith.constant 0 : i32
      %cond3A_186 = arith.cmpi ne, %convert_element_type3A_184, %cond3A_185 : i32
      scf.if %cond3A_186 {
        %dma_wait3A_214 = arith.constant 0 : i32
        %dma_wait3A_215 = arith.constant 0 : i32
        %dma_wait3A_216 = tpu.memref_slice %arg20[%dma_wait3A_214, %dma_wait3A_215] : memref<10240x128xf32, #tpu.memory_space<vmem_shared>> -> memref<10240x128xf32, #tpu.memory_space<vmem_shared>>
        tpu.wait_indirect_dma semaphore(%arg30 : memref<!tpu.dma_semaphore, #tpu.memory_space<semaphore_mem>>) src(%arg11 : memref<64x128xf32, #tpu.memory_space<vmem>>) dst(%dma_wait3A_216 : memref<10240x128xf32, #tpu.memory_space<vmem_shared>>)
        %dma_wait3A_217 = arith.constant 0 : i32
        %dma_wait3A_218 = tpu.memref_slice %arg21[%dma_wait3A_217] : memref<10240xf32, #tpu.memory_space<vmem_shared>> -> memref<10240xf32, #tpu.memory_space<vmem_shared>>
        tpu.wait_indirect_dma semaphore(%arg30 : memref<!tpu.dma_semaphore, #tpu.memory_space<semaphore_mem>>) src(%arg15 : memref<64xf32, #tpu.memory_space<vmem>>) dst(%dma_wait3A_218 : memref<10240xf32, #tpu.memory_space<vmem_shared>>)
        %add3A_219 = arith.constant 2 : i32
        %add3A_220 = arith.addi %add3A_163, %add3A_219 : i32
        %add3A_221 = arith.constant 320000 : i32
        %add3A_222 = arith.addi %add3A_221, %mul3A_2 : i32
        %mul3A_223 = arith.constant 64 : i32
        %mul3A_224 = arith.muli %add3A_220, %mul3A_223 : i32
        %add3A_225 = arith.addi %add3A_222, %mul3A_224 : i32
        %dma_start3A_226 = tpu.memref_slice %arg3[%add3A_225] : memref<640000xi32, #tpu.memory_space<hbm>> -> memref<64xi32, #tpu.memory_space<hbm>>
        %dma_start3A_227 = tpu.memref_slice %arg3[%add3A_225] : memref<640000xi32, #tpu.memory_space<hbm>> -> memref<64xi32, #tpu.memory_space<hbm>>
        tpu.enqueue_dma source(%dma_start3A_227 : memref<64xi32, #tpu.memory_space<hbm>>) target(%arg7 : memref<64xi32, #tpu.memory_space<vmem>>) target_semaphore(%arg22 : memref<!tpu.dma_semaphore, #tpu.memory_space<semaphore_mem>>)
        %mul3A_228 = arith.constant 64 : i32
        %mul3A_229 = arith.muli %add3A_220, %mul3A_228 : i32
        %dma_start3A_230 = tpu.memref_slice %arg6[%mul3A_229] : memref<10000xi32, #tpu.memory_space<vmem>> -> memref<64xi32, #tpu.memory_space<vmem>>
        %dma_start3A_231 = arith.constant 0 : i32
        %dma_start3A_232 = arith.constant 0 : i32
        %dma_start3A_233 = tpu.memref_slice %arg2[%dma_start3A_231, %dma_start3A_232] : memref<10000x128xf32, #tpu.memory_space<hbm>> -> memref<10000x128xf32, #tpu.memory_space<hbm>>
        tpu.enqueue_indirect_dma source(%dma_start3A_233 : memref<10000x128xf32, #tpu.memory_space<hbm>>) target(%arg11 : memref<64x128xf32, #tpu.memory_space<vmem>>) offsets(%dma_start3A_230 : memref<64xi32, #tpu.memory_space<vmem>>) semaphore(%arg26 : memref<!tpu.dma_semaphore, #tpu.memory_space<semaphore_mem>>)
      } else {
      }
      %mul3A_187 = arith.constant 4 : i32
      %mul3A_188 = arith.muli %scan3A_108, %mul3A_187 : i32
      %add3A_189 = arith.constant 3 : i32
      %add3A_190 = arith.addi %mul3A_188, %add3A_189 : i32
      %add3A_191 = arith.constant 320000 : i32
      %add3A_192 = arith.addi %add3A_191, %mul3A_2 : i32
      %mul3A_193 = arith.constant 64 : i32
      %mul3A_194 = arith.muli %add3A_190, %mul3A_193 : i32
      %add3A_195 = arith.addi %add3A_192, %mul3A_194 : i32
      %dma_wait3A_196 = tpu.memref_slice %arg3[%add3A_195] : memref<640000xi32, #tpu.memory_space<hbm>> -> memref<64xi32, #tpu.memory_space<hbm>>
      %dma_wait3A_197 = tpu.memref_slice %arg3[%add3A_195] : memref<640000xi32, #tpu.memory_space<hbm>> -> memref<64xi32, #tpu.memory_space<hbm>>
      tpu.wait_dma2 semaphore(%arg25 : memref<!tpu.dma_semaphore, #tpu.memory_space<semaphore_mem>>) src(%dma_wait3A_197 : memref<64xi32, #tpu.memory_space<hbm>>) dst(%arg10 : memref<64xi32, #tpu.memory_space<vmem>>)
      %mul3A_198 = arith.constant 64 : i32
      %mul3A_199 = arith.muli %add3A_190, %mul3A_198 : i32
      %dma_wait3A_200 = tpu.memref_slice %arg6[%mul3A_199] : memref<10000xi32, #tpu.memory_space<vmem>> -> memref<64xi32, #tpu.memory_space<vmem>>
      %dma_wait3A_201 = arith.constant 0 : i32
      %dma_wait3A_202 = arith.constant 0 : i32
      %dma_wait3A_203 = tpu.memref_slice %arg2[%dma_wait3A_201, %dma_wait3A_202] : memref<10000x128xf32, #tpu.memory_space<hbm>> -> memref<10000x128xf32, #tpu.memory_space<hbm>>
      tpu.wait_indirect_dma semaphore(%arg29 : memref<!tpu.dma_semaphore, #tpu.memory_space<semaphore_mem>>) src(%dma_wait3A_203 : memref<10000x128xf32, #tpu.memory_space<hbm>>) dst(%arg14 : memref<64x128xf32, #tpu.memory_space<vmem>>)
      %dma_start3A_204 = arith.constant 0 : i32
      %dma_start3A_205 = arith.constant 0 : i32
      %dma_start3A_206 = tpu.memref_slice %arg20[%dma_start3A_204, %dma_start3A_205] : memref<10240x128xf32, #tpu.memory_space<vmem_shared>> -> memref<10240x128xf32, #tpu.memory_space<vmem_shared>>
      tpu.enqueue_indirect_dma source(%arg14 : memref<64x128xf32, #tpu.memory_space<vmem>>) target(%dma_start3A_206 : memref<10240x128xf32, #tpu.memory_space<vmem_shared>>) offsets(%arg10 : memref<64xi32, #tpu.memory_space<vmem>>) semaphore(%arg33 : memref<!tpu.dma_semaphore, #tpu.memory_space<semaphore_mem>>) {add = true}
      %dma_start3A_207 = arith.constant 0 : i32
      %dma_start3A_208 = tpu.memref_slice %arg21[%dma_start3A_207] : memref<10240xf32, #tpu.memory_space<vmem_shared>> -> memref<10240xf32, #tpu.memory_space<vmem_shared>>
      tpu.enqueue_indirect_dma source(%arg15 : memref<64xf32, #tpu.memory_space<vmem>>) target(%dma_start3A_208 : memref<10240xf32, #tpu.memory_space<vmem_shared>>) offsets(%arg10 : memref<64xi32, #tpu.memory_space<vmem>>) semaphore(%arg33 : memref<!tpu.dma_semaphore, #tpu.memory_space<semaphore_mem>>) {add = true}
      %lt3A_209 = arith.constant 154 : i32
      %lt3A_210 = arith.cmpi slt, %add3A_190, %lt3A_209 : i32
      %convert_element_type3A_211 = arith.extui %lt3A_210 : i1 to i32
      %cond3A_212 = arith.constant 0 : i32
      %cond3A_213 = arith.cmpi ne, %convert_element_type3A_211, %cond3A_212 : i32
      scf.if %cond3A_213 {
        %dma_wait3A_214 = arith.constant 0 : i32
        %dma_wait3A_215 = arith.constant 0 : i32
        %dma_wait3A_216 = tpu.memref_slice %arg20[%dma_wait3A_214, %dma_wait3A_215] : memref<10240x128xf32, #tpu.memory_space<vmem_shared>> -> memref<10240x128xf32, #tpu.memory_space<vmem_shared>>
        tpu.wait_indirect_dma semaphore(%arg31 : memref<!tpu.dma_semaphore, #tpu.memory_space<semaphore_mem>>) src(%arg12 : memref<64x128xf32, #tpu.memory_space<vmem>>) dst(%dma_wait3A_216 : memref<10240x128xf32, #tpu.memory_space<vmem_shared>>)
        %dma_wait3A_217 = arith.constant 0 : i32
        %dma_wait3A_218 = tpu.memref_slice %arg21[%dma_wait3A_217] : memref<10240xf32, #tpu.memory_space<vmem_shared>> -> memref<10240xf32, #tpu.memory_space<vmem_shared>>
        tpu.wait_indirect_dma semaphore(%arg31 : memref<!tpu.dma_semaphore, #tpu.memory_space<semaphore_mem>>) src(%arg15 : memref<64xf32, #tpu.memory_space<vmem>>) dst(%dma_wait3A_218 : memref<10240xf32, #tpu.memory_space<vmem_shared>>)
        %add3A_219 = arith.constant 2 : i32
        %add3A_220 = arith.addi %add3A_190, %add3A_219 : i32
        %add3A_221 = arith.constant 320000 : i32
        %add3A_222 = arith.addi %add3A_221, %mul3A_2 : i32
        %mul3A_223 = arith.constant 64 : i32
        %mul3A_224 = arith.muli %add3A_220, %mul3A_223 : i32
        %add3A_225 = arith.addi %add3A_222, %mul3A_224 : i32
        %dma_start3A_226 = tpu.memref_slice %arg3[%add3A_225] : memref<640000xi32, #tpu.memory_space<hbm>> -> memref<64xi32, #tpu.memory_space<hbm>>
        %dma_start3A_227 = tpu.memref_slice %arg3[%add3A_225] : memref<640000xi32, #tpu.memory_space<hbm>> -> memref<64xi32, #tpu.memory_space<hbm>>
        tpu.enqueue_dma source(%dma_start3A_227 : memref<64xi32, #tpu.memory_space<hbm>>) target(%arg8 : memref<64xi32, #tpu.memory_space<vmem>>) target_semaphore(%arg23 : memref<!tpu.dma_semaphore, #tpu.memory_space<semaphore_mem>>)
        %mul3A_228 = arith.constant 64 : i32
        %mul3A_229 = arith.muli %add3A_220, %mul3A_228 : i32
        %dma_start3A_230 = tpu.memref_slice %arg6[%mul3A_229] : memref<10000xi32, #tpu.memory_space<vmem>> -> memref<64xi32, #tpu.memory_space<vmem>>
        %dma_start3A_231 = arith.constant 0 : i32
        %dma_start3A_232 = arith.constant 0 : i32
        %dma_start3A_233 = tpu.memref_slice %arg2[%dma_start3A_231, %dma_start3A_232] : memref<10000x128xf32, #tpu.memory_space<hbm>> -> memref<10000x128xf32, #tpu.memory_space<hbm>>
        tpu.enqueue_indirect_dma source(%dma_start3A_233 : memref<10000x128xf32, #tpu.memory_space<hbm>>) target(%arg12 : memref<64x128xf32, #tpu.memory_space<vmem>>) offsets(%dma_start3A_230 : memref<64xi32, #tpu.memory_space<vmem>>) semaphore(%arg27 : memref<!tpu.dma_semaphore, #tpu.memory_space<semaphore_mem>>)
      } else {
      }
    }
    %scan3A_83 = arith.constant 39 : i32
    %dma_wait3A = arith.constant 0 : i32
    %dma_wait3A_84 = arith.constant 0 : i32
    %dma_wait3A_85 = tpu.memref_slice %arg20[%dma_wait3A, %dma_wait3A_84] : memref<10240x128xf32, #tpu.memory_space<vmem_shared>> -> memref<10240x128xf32, #tpu.memory_space<vmem_shared>>
    tpu.wait_indirect_dma semaphore(%arg30 : memref<!tpu.dma_semaphore, #tpu.memory_space<semaphore_mem>>) src(%arg11 : memref<64x128xf32, #tpu.memory_space<vmem>>) dst(%dma_wait3A_85 : memref<10240x128xf32, #tpu.memory_space<vmem_shared>>)
    %dma_wait3A_86 = arith.constant 0 : i32
    %dma_wait3A_87 = tpu.memref_slice %arg21[%dma_wait3A_86] : memref<10240xf32, #tpu.memory_space<vmem_shared>> -> memref<10240xf32, #tpu.memory_space<vmem_shared>>
    tpu.wait_indirect_dma semaphore(%arg30 : memref<!tpu.dma_semaphore, #tpu.memory_space<semaphore_mem>>) src(%arg15 : memref<64xf32, #tpu.memory_space<vmem>>) dst(%dma_wait3A_87 : memref<10240xf32, #tpu.memory_space<vmem_shared>>)
    %dma_wait3A_88 = arith.constant 0 : i32
    %dma_wait3A_89 = arith.constant 0 : i32
    %dma_wait3A_90 = tpu.memref_slice %arg20[%dma_wait3A_88, %dma_wait3A_89] : memref<10240x128xf32, #tpu.memory_space<vmem_shared>> -> memref<10240x128xf32, #tpu.memory_space<vmem_shared>>
    tpu.wait_indirect_dma semaphore(%arg31 : memref<!tpu.dma_semaphore, #tpu.memory_space<semaphore_mem>>) src(%arg12 : memref<64x128xf32, #tpu.memory_space<vmem>>) dst(%dma_wait3A_90 : memref<10240x128xf32, #tpu.memory_space<vmem_shared>>)
    %dma_wait3A_91 = arith.constant 0 : i32
    %dma_wait3A_92 = tpu.memref_slice %arg21[%dma_wait3A_91] : memref<10240xf32, #tpu.memory_space<vmem_shared>> -> memref<10240xf32, #tpu.memory_space<vmem_shared>>
    tpu.wait_indirect_dma semaphore(%arg31 : memref<!tpu.dma_semaphore, #tpu.memory_space<semaphore_mem>>) src(%arg15 : memref<64xf32, #tpu.memory_space<vmem>>) dst(%dma_wait3A_92 : memref<10240xf32, #tpu.memory_space<vmem_shared>>)
    %dma_wait3A_93 = arith.constant 0 : i32
    %dma_wait3A_94 = arith.constant 0 : i32
    %dma_wait3A_95 = tpu.memref_slice %arg20[%dma_wait3A_93, %dma_wait3A_94] : memref<10240x128xf32, #tpu.memory_space<vmem_shared>> -> memref<10240x128xf32, #tpu.memory_space<vmem_shared>>
    tpu.wait_indirect_dma semaphore(%arg32 : memref<!tpu.dma_semaphore, #tpu.memory_space<semaphore_mem>>) src(%arg13 : memref<64x128xf32, #tpu.memory_space<vmem>>) dst(%dma_wait3A_95 : memref<10240x128xf32, #tpu.memory_space<vmem_shared>>)
    %dma_wait3A_96 = arith.constant 0 : i32
    %dma_wait3A_97 = tpu.memref_slice %arg21[%dma_wait3A_96] : memref<10240xf32, #tpu.memory_space<vmem_shared>> -> memref<10240xf32, #tpu.memory_space<vmem_shared>>
    tpu.wait_indirect_dma semaphore(%arg32 : memref<!tpu.dma_semaphore, #tpu.memory_space<semaphore_mem>>) src(%arg15 : memref<64xf32, #tpu.memory_space<vmem>>) dst(%dma_wait3A_97 : memref<10240xf32, #tpu.memory_space<vmem_shared>>)
    %dma_wait3A_98 = arith.constant 0 : i32
    %dma_wait3A_99 = arith.constant 0 : i32
    %dma_wait3A_100 = tpu.memref_slice %arg20[%dma_wait3A_98, %dma_wait3A_99] : memref<10240x128xf32, #tpu.memory_space<vmem_shared>> -> memref<10240x128xf32, #tpu.memory_space<vmem_shared>>
    tpu.wait_indirect_dma semaphore(%arg33 : memref<!tpu.dma_semaphore, #tpu.memory_space<semaphore_mem>>) src(%arg14 : memref<64x128xf32, #tpu.memory_space<vmem>>) dst(%dma_wait3A_100 : memref<10240x128xf32, #tpu.memory_space<vmem_shared>>)
    %dma_wait3A_101 = arith.constant 0 : i32
    %dma_wait3A_102 = tpu.memref_slice %arg21[%dma_wait3A_101] : memref<10240xf32, #tpu.memory_space<vmem_shared>> -> memref<10240xf32, #tpu.memory_space<vmem_shared>>
    tpu.wait_indirect_dma semaphore(%arg33 : memref<!tpu.dma_semaphore, #tpu.memory_space<semaphore_mem>>) src(%arg15 : memref<64xf32, #tpu.memory_space<vmem>>) dst(%dma_wait3A_102 : memref<10240xf32, #tpu.memory_space<vmem_shared>>)
    %add3A_103 = arith.constant 320000 : i32
    %add3A_104 = arith.addi %add3A_103, %mul3A_2 : i32
    %add3A_105 = arith.constant 9984 : i32
    %add3A_106 = arith.addi %add3A_104, %add3A_105 : i32
    "tpu.region"() ({
      %run_scoped3A = tpu.sem_alloc : memref<!tpu.dma_semaphore, #tpu.memory_space<semaphore_mem>>
      %dma_start3A_108 = tpu.memref_slice %arg3[%add3A_106] : memref<640000xi32, #tpu.memory_space<hbm>> -> memref<16xi32, #tpu.memory_space<hbm>>
      %dma_start3A_109 = tpu.memref_slice %arg3[%add3A_106] : memref<640000xi32, #tpu.memory_space<hbm>> -> memref<16xi32, #tpu.memory_space<hbm>>
      tpu.enqueue_dma source(%dma_start3A_109 : memref<16xi32, #tpu.memory_space<hbm>>) target(%arg16 : memref<16xi32, #tpu.memory_space<vmem>>) target_semaphore(%run_scoped3A : memref<!tpu.dma_semaphore, #tpu.memory_space<semaphore_mem>>)
      %dma_wait3A_110 = tpu.memref_slice %arg3[%add3A_106] : memref<640000xi32, #tpu.memory_space<hbm>> -> memref<16xi32, #tpu.memory_space<hbm>>
      %dma_wait3A_111 = tpu.memref_slice %arg3[%add3A_106] : memref<640000xi32, #tpu.memory_space<hbm>> -> memref<16xi32, #tpu.memory_space<hbm>>
      tpu.wait_dma2 semaphore(%run_scoped3A : memref<!tpu.dma_semaphore, #tpu.memory_space<semaphore_mem>>) src(%dma_wait3A_111 : memref<16xi32, #tpu.memory_space<hbm>>) dst(%arg16 : memref<16xi32, #tpu.memory_space<vmem>>)
      tpu.yield
    }) : () -> ()
    "tpu.region"() ({
      %run_scoped3A = tpu.sem_alloc : memref<!tpu.dma_semaphore, #tpu.memory_space<semaphore_mem>>
      %dma_start3A_108 = arith.constant 9984 : i32
      %dma_start3A_109 = tpu.memref_slice %arg6[%dma_start3A_108] : memref<10000xi32, #tpu.memory_space<vmem>> -> memref<16xi32, #tpu.memory_space<vmem>>
      %dma_start3A_110 = arith.constant 0 : i32
      %dma_start3A_111 = arith.constant 0 : i32
      %dma_start3A_112 = tpu.memref_slice %arg2[%dma_start3A_110, %dma_start3A_111] : memref<10000x128xf32, #tpu.memory_space<hbm>> -> memref<10000x128xf32, #tpu.memory_space<hbm>>
      tpu.enqueue_indirect_dma source(%dma_start3A_112 : memref<10000x128xf32, #tpu.memory_space<hbm>>) target(%arg17 : memref<16x128xf32, #tpu.memory_space<vmem>>) offsets(%dma_start3A_109 : memref<16xi32, #tpu.memory_space<vmem>>) semaphore(%run_scoped3A : memref<!tpu.dma_semaphore, #tpu.memory_space<semaphore_mem>>)
      %dma_wait3A_113 = arith.constant 9984 : i32
      %dma_wait3A_114 = tpu.memref_slice %arg6[%dma_wait3A_113] : memref<10000xi32, #tpu.memory_space<vmem>> -> memref<16xi32, #tpu.memory_space<vmem>>
      %dma_wait3A_115 = arith.constant 0 : i32
      %dma_wait3A_116 = arith.constant 0 : i32
      %dma_wait3A_117 = tpu.memref_slice %arg2[%dma_wait3A_115, %dma_wait3A_116] : memref<10000x128xf32, #tpu.memory_space<hbm>> -> memref<10000x128xf32, #tpu.memory_space<hbm>>
      tpu.wait_indirect_dma semaphore(%run_scoped3A : memref<!tpu.dma_semaphore, #tpu.memory_space<semaphore_mem>>) src(%dma_wait3A_117 : memref<10000x128xf32, #tpu.memory_space<hbm>>) dst(%arg17 : memref<16x128xf32, #tpu.memory_space<vmem>>)
      tpu.yield
    }) : () -> ()
    "tpu.region"() ({
      %run_scoped3A = tpu.sem_alloc : memref<!tpu.dma_semaphore, #tpu.memory_space<semaphore_mem>>
      %dma_start3A_108 = arith.constant 0 : i32
      %dma_start3A_109 = arith.constant 0 : i32
      %dma_start3A_110 = tpu.memref_slice %arg20[%dma_start3A_108, %dma_start3A_109] : memref<10240x128xf32, #tpu.memory_space<vmem_shared>> -> memref<10240x128xf32, #tpu.memory_space<vmem_shared>>
      tpu.enqueue_indirect_dma source(%arg17 : memref<16x128xf32, #tpu.memory_space<vmem>>) target(%dma_start3A_110 : memref<10240x128xf32, #tpu.memory_space<vmem_shared>>) offsets(%arg16 : memref<16xi32, #tpu.memory_space<vmem>>) semaphore(%run_scoped3A : memref<!tpu.dma_semaphore, #tpu.memory_space<semaphore_mem>>) {add = true}
      %dma_wait3A_111 = arith.constant 0 : i32
      %dma_wait3A_112 = arith.constant 0 : i32
      %dma_wait3A_113 = tpu.memref_slice %arg20[%dma_wait3A_111, %dma_wait3A_112] : memref<10240x128xf32, #tpu.memory_space<vmem_shared>> -> memref<10240x128xf32, #tpu.memory_space<vmem_shared>>
      tpu.wait_indirect_dma semaphore(%run_scoped3A : memref<!tpu.dma_semaphore, #tpu.memory_space<semaphore_mem>>) src(%arg17 : memref<16x128xf32, #tpu.memory_space<vmem>>) dst(%dma_wait3A_113 : memref<10240x128xf32, #tpu.memory_space<vmem_shared>>)
      tpu.yield
    }) : () -> ()
    "tpu.region"() ({
      %run_scoped3A = tpu.sem_alloc : memref<!tpu.dma_semaphore, #tpu.memory_space<semaphore_mem>>
      %dma_start3A_108 = arith.constant 0 : i32
      %dma_start3A_109 = tpu.memref_slice %arg21[%dma_start3A_108] : memref<10240xf32, #tpu.memory_space<vmem_shared>> -> memref<10240xf32, #tpu.memory_space<vmem_shared>>
      tpu.enqueue_indirect_dma source(%arg18 : memref<16xf32, #tpu.memory_space<vmem>>) target(%dma_start3A_109 : memref<10240xf32, #tpu.memory_space<vmem_shared>>) offsets(%arg16 : memref<16xi32, #tpu.memory_space<vmem>>) semaphore(%run_scoped3A : memref<!tpu.dma_semaphore, #tpu.memory_space<semaphore_mem>>) {add = true}
      %dma_wait3A_110 = arith.constant 0 : i32
      %dma_wait3A_111 = tpu.memref_slice %arg21[%dma_wait3A_110] : memref<10240xf32, #tpu.memory_space<vmem_shared>> -> memref<10240xf32, #tpu.memory_space<vmem_shared>>
      tpu.wait_indirect_dma semaphore(%run_scoped3A : memref<!tpu.dma_semaphore, #tpu.memory_space<semaphore_mem>>) src(%arg18 : memref<16xf32, #tpu.memory_space<vmem>>) dst(%dma_wait3A_111 : memref<10240xf32, #tpu.memory_space<vmem_shared>>)
      tpu.yield
    }) : () -> ()
    %barrier3A_107 = arith.constant 0 : index
    tpu.barrier barrier_id(%barrier3A_107)
    "tpu.region"() ({
      %run_scoped3A = tpu.sem_alloc : memref<!tpu.dma_semaphore, #tpu.memory_space<semaphore_mem>>
      %dma_start3A_108 = arith.constant 0 : i32
      %dma_start3A_109 = tpu.memref_slice %arg4[%arg0, %mul3A_36, %dma_start3A_108] : memref<2x10240x128xf32, #tpu.memory_space<hbm>> -> memref<1x640x128xf32, #tpu.memory_space<hbm>>
      %dma_start3A_110 = tpu.memref_squeeze %dma_start3A_109 : memref<1x640x128xf32, #tpu.memory_space<hbm>> -> memref<640x128xf32, #tpu.memory_space<hbm>>
      %dma_start3A_111 = arith.constant 0 : i32
      %dma_start3A_112 = tpu.memref_slice %arg20[%mul3A_36, %dma_start3A_111] : memref<10240x128xf32, #tpu.memory_space<vmem_shared>> -> memref<640x128xf32, #tpu.memory_space<vmem_shared>>
      tpu.enqueue_dma source(%dma_start3A_112 : memref<640x128xf32, #tpu.memory_space<vmem_shared>>) target(%dma_start3A_110 : memref<640x128xf32, #tpu.memory_space<hbm>>) target_semaphore(%run_scoped3A : memref<!tpu.dma_semaphore, #tpu.memory_space<semaphore_mem>>)
      %dma_wait3A_113 = arith.constant 0 : i32
      %dma_wait3A_114 = tpu.memref_slice %arg4[%arg0, %mul3A_36, %dma_wait3A_113] : memref<2x10240x128xf32, #tpu.memory_space<hbm>> -> memref<1x640x128xf32, #tpu.memory_space<hbm>>
      %dma_wait3A_115 = tpu.memref_squeeze %dma_wait3A_114 : memref<1x640x128xf32, #tpu.memory_space<hbm>> -> memref<640x128xf32, #tpu.memory_space<hbm>>
      %dma_wait3A_116 = arith.constant 0 : i32
      %dma_wait3A_117 = tpu.memref_slice %arg20[%mul3A_36, %dma_wait3A_116] : memref<10240x128xf32, #tpu.memory_space<vmem_shared>> -> memref<640x128xf32, #tpu.memory_space<vmem_shared>>
      tpu.wait_dma2 semaphore(%run_scoped3A : memref<!tpu.dma_semaphore, #tpu.memory_space<semaphore_mem>>) src(%dma_wait3A_117 : memref<640x128xf32, #tpu.memory_space<vmem_shared>>) dst(%dma_wait3A_115 : memref<640x128xf32, #tpu.memory_space<hbm>>)
      tpu.yield
    }) : () -> ()
    "tpu.region"() ({
      %run_scoped3A = tpu.sem_alloc : memref<!tpu.dma_semaphore, #tpu.memory_space<semaphore_mem>>
      %dma_start3A_108 = tpu.memref_slice %arg5[%arg0, %mul3A_36] : memref<2x10240xf32, #tpu.memory_space<hbm>> -> memref<1x640xf32, #tpu.memory_space<hbm>>
      %dma_start3A_109 = tpu.memref_squeeze %dma_start3A_108 : memref<1x640xf32, #tpu.memory_space<hbm>> -> memref<640xf32, #tpu.memory_space<hbm>>
      %dma_start3A_110 = tpu.memref_slice %arg21[%mul3A_36] : memref<10240xf32, #tpu.memory_space<vmem_shared>> -> memref<640xf32, #tpu.memory_space<vmem_shared>>
      tpu.enqueue_dma source(%dma_start3A_110 : memref<640xf32, #tpu.memory_space<vmem_shared>>) target(%dma_start3A_109 : memref<640xf32, #tpu.memory_space<hbm>>) target_semaphore(%run_scoped3A : memref<!tpu.dma_semaphore, #tpu.memory_space<semaphore_mem>>)
      %dma_wait3A_111 = tpu.memref_slice %arg5[%arg0, %mul3A_36] : memref<2x10240xf32, #tpu.memory_space<hbm>> -> memref<1x640xf32, #tpu.memory_space<hbm>>
      %dma_wait3A_112 = tpu.memref_squeeze %dma_wait3A_111 : memref<1x640xf32, #tpu.memory_space<hbm>> -> memref<640xf32, #tpu.memory_space<hbm>>
      %dma_wait3A_113 = tpu.memref_slice %arg21[%mul3A_36] : memref<10240xf32, #tpu.memory_space<vmem_shared>> -> memref<640xf32, #tpu.memory_space<vmem_shared>>
      tpu.wait_dma2 semaphore(%run_scoped3A : memref<!tpu.dma_semaphore, #tpu.memory_space<semaphore_mem>>) src(%dma_wait3A_113 : memref<640xf32, #tpu.memory_space<vmem_shared>>) dst(%dma_wait3A_112 : memref<640xf32, #tpu.memory_space<hbm>>)
      tpu.yield
    }) : () -> ()
    return
  }
}

module attributes {stable_mosaic.version = 14 : i64} {
  func.func @_tc_body(%arg0: i32, %arg1: memref<2x1000x128xf32, #tpu.memory_space<vmem>>, %arg2: memref<2x1000x1xf32, #tpu.memory_space<vmem>>, %arg3: memref<128x128xf32, #tpu.memory_space<vmem>>, %arg4: memref<1x128xf32, #tpu.memory_space<vmem>>, %arg5: memref<1000x128xf32, #tpu.memory_space<vmem>>) attributes {dimension_semantics = [#tpu.dimension_semantics<arbitrary>], iteration_bounds = array<i64: 10>, scalar_prefetch = 0 : i64, scratch_operands = 0 : i64, tpu.core_type = #tpu.core_type<tc>, window_params = [{transform_indices = @transform_0, window_bounds = array<i64: 2, 1000, 128>}, {transform_indices = @transform_1, window_bounds = array<i64: 2, 1000, 1>}, {pipeline_mode = #tpu.pipeline_mode<synchronous>, transform_indices = @transform_2, window_bounds = array<i64: 128, 128>}, {pipeline_mode = #tpu.pipeline_mode<synchronous>, transform_indices = @transform_3, window_bounds = array<i64: 1, 128>}, {transform_indices = @transform_4, window_bounds = array<i64: 1000, 128>}]} {
    %get3A = arith.constant 0 : index
    %get3A_0 = arith.constant 0 : index
    %get3A_1 = arith.constant 0 : index
    %get3A_2 = vector.load %arg1[%get3A, %get3A_0, %get3A_1] : memref<2x1000x128xf32, #tpu.memory_space<vmem>>, vector<1x1000x128xf32>
    %get3A_3 = vector.shape_cast %get3A_2 : vector<1x1000x128xf32> to vector<1000x128xf32>
    %get3A_4 = arith.constant 1 : index
    %get3A_5 = arith.constant 0 : index
    %get3A_6 = arith.constant 0 : index
    %get3A_7 = vector.load %arg1[%get3A_4, %get3A_5, %get3A_6] : memref<2x1000x128xf32, #tpu.memory_space<vmem>>, vector<1x1000x128xf32>
    %get3A_8 = vector.shape_cast %get3A_7 : vector<1x1000x128xf32> to vector<1000x128xf32>
    %add3A = arith.addf %get3A_3, %get3A_8 : vector<1000x128xf32>
    %get3A_9 = arith.constant 0 : index
    %get3A_10 = arith.constant 0 : index
    %get3A_11 = arith.constant 0 : index
    %get3A_12 = vector.load %arg2[%get3A_9, %get3A_10, %get3A_11] : memref<2x1000x1xf32, #tpu.memory_space<vmem>>, vector<1x1000x1xf32>
    %get3A_13 = vector.shape_cast %get3A_12 : vector<1x1000x1xf32> to vector<1000x1xf32>
    %get3A_14 = arith.constant 1 : index
    %get3A_15 = arith.constant 0 : index
    %get3A_16 = arith.constant 0 : index
    %get3A_17 = vector.load %arg2[%get3A_14, %get3A_15, %get3A_16] : memref<2x1000x1xf32, #tpu.memory_space<vmem>>, vector<1x1000x1xf32>
    %get3A_18 = vector.shape_cast %get3A_17 : vector<1x1000x1xf32> to vector<1000x1xf32>
    %add3A_19 = arith.addf %get3A_13, %get3A_18 : vector<1000x1xf32>
    %max3A = arith.constant 1.000000e+00 : f32
    %max3A_20 = vector.broadcast %max3A : f32 to vector<1000x1xf32>
    %max3A_21 = arith.maximumf %add3A_19, %max3A_20 : vector<1000x1xf32>
    %div3A = vector.broadcast %max3A_21 : vector<1000x1xf32> to vector<1000x128xf32>
    %div3A_22 = arith.divf %add3A, %div3A : vector<1000x128xf32>
    %get3A_23 = arith.constant 0 : index
    %get3A_24 = arith.constant 0 : index
    %get3A_25 = vector.load %arg3[%get3A_23, %get3A_24] : memref<128x128xf32, #tpu.memory_space<vmem>>, vector<128x128xf32>
    %dot_general3A = arith.constant dense<0.000000e+00> : vector<1000x128xf32>
    %dot_general3A_26 = tpu.matmul %div3A_22, %get3A_25, %dot_general3A {dimension_numbers = #tpu.dot_dimension_numbers<[1], [1], [0], [0], [0, 0, 1, 0], [], []>, transpose_lhs_hint = false} : vector<1000x128xf32>, vector<128x128xf32>, vector<1000x128xf32> -> vector<1000x128xf32>
    %get3A_27 = arith.constant 0 : index
    %get3A_28 = arith.constant 0 : index
    %get3A_29 = vector.load %arg4[%get3A_27, %get3A_28] : memref<1x128xf32, #tpu.memory_space<vmem>>, vector<1x128xf32>
    %add3A_30 = vector.broadcast %get3A_29 : vector<1x128xf32> to vector<1000x128xf32>
    %add3A_31 = arith.addf %dot_general3A_26, %add3A_30 : vector<1000x128xf32>
    %max3A_32 = arith.constant 0.000000e+00 : f32
    %max3A_33 = vector.broadcast %max3A_32 : f32 to vector<1000x128xf32>
    %max3A_34 = arith.maximumf %add3A_31, %max3A_33 : vector<1000x128xf32>
    %swap3A = arith.constant 0 : index
    %swap3A_35 = arith.constant 0 : index
    %swap3A_36 = vector.load %arg5[%swap3A, %swap3A_35] : memref<1000x128xf32, #tpu.memory_space<vmem>>, vector<1000x128xf32>
    tpu.vector_store %arg5[%swap3A, %swap3A_35], %max3A_34 {strides = array<i32>} : memref<1000x128xf32, #tpu.memory_space<vmem>>, vector<1000x128xf32>,
    return
  }
  func.func @transform_0(%arg0: i32) -> (i32, i32, i32) {
    %c0_i32 = arith.constant 0 : i32
    %c0_i32_0 = arith.constant 0 : i32
    %c0_i32_1 = arith.constant 0 : i32
    return %c0_i32, %arg0, %c0_i32_0 : i32, i32, i32
  }
  func.func @transform_1(%arg0: i32) -> (i32, i32, i32) {
    %c0_i32 = arith.constant 0 : i32
    %c0_i32_0 = arith.constant 0 : i32
    %c0_i32_1 = arith.constant 0 : i32
    return %c0_i32, %arg0, %c0_i32_0 : i32, i32, i32
  }
  func.func @transform_2(%arg0: i32) -> (i32, i32) {
    %c0_i32 = arith.constant 0 : i32
    %c0_i32_0 = arith.constant 0 : i32
    %c0_i32_1 = arith.constant 0 : i32
    return %c0_i32, %c0_i32_0 : i32, i32
  }
  func.func @transform_3(%arg0: i32) -> (i32, i32) {
    %c0_i32 = arith.constant 0 : i32
    %c0_i32_0 = arith.constant 0 : i32
    %c0_i32_1 = arith.constant 0 : i32
    return %c0_i32, %c0_i32_0 : i32, i32
  }
  func.func @transform_4(%arg0: i32) -> (i32, i32) {
    %c0_i32 = arith.constant 0 : i32
    %c0_i32_0 = arith.constant 0 : i32
    return %arg0, %c0_i32 : i32, i32
  }
}

</mosaic_0001>

<sc_bundles>
// kernel: kernel.4.cloned.1.call-start
scs
__scs_entry_jumppad:
0x0: {  	(pc) =	sbr.rel $0x88, $3  }
0x1: {  	(tag) =	ssettag $0x0;
	lr =	simm.s32 $0x1  }
0x2: {  	[smem:$0x3F9D] =	sst lr;
	_ =	strace $0xD0000000  }
0x3: {  	_ = 	snop  }
0x4: {  	_ = 	snop  }
0x5: {  	_ = 	snop  }
0x6: {  	_ = 	snop  }
0x7: {  	_ = 	snop  }
__scs_overlays_trampoline_lowered:
0x8: {  	[smem:$0x3FAC] =	sst s0  }
0x9: {  	[smem:$0x3FAD] =	sst s1  }
0xa: {  	[smem:$0x3FAE] =	sst s2  }
0xb: {  	[smem:$0x3FAF] =	sst s3  }
0xc: {  	[smem:$0x3FB0] =	sst s4  }
0xd: {  	[smem:$0x3FB1] =	sst s5  }
0xe: {  	[smem:$0x3FB2] =	sst s6  }
0xf: {  	[smem:$0x3FB3] =	sst s7  }
0x10: {  	[smem:$0x3FB4] =	sst s8  }
0x11: {  	[smem:$0x3FB5] =	sst s9;
	s0 =	simm.s32 @!p0 $0x0  }
0x12: {  	s1 =	sld [smem:$0x3F9B];
	s0 =	simm.s32 @p0 $0x1  }
0x13: {  	[smem:$0x3FB6] =	sst s0;
	s0 =	simm.s32 @!p1 $0x0  }
0x14: {  	s2 =	sld [smem:$0x3F9A];
	s0 =	simm.s32 @p1 $0x1  }
0x15: {  	[smem:$0x3FB7] =	sst s0;
	s0 =	simm.s32 @!p2 $0x0  }
0x16: {  	s3 =	sld [smem:$0x3FDB];
	s0 =	simm.s32 @p2 $0x1  }
0x17: {  	s4 =	simm.s32 $0x1BF5;
	[smem:$0x3FB9] =	sst s0  }
0x18: {  	s0 =	sld [smem:$0x3F9C];
	_ =	swait.ge [sflag:s4], $0x0  }
0x19: {  	s7 =	sld [smem:$0x3F9D]  }
0x1a: {  	s8 =	sadd.s32 $0xFFFFE003, lr  }
0x1b: {  	s9 =	sadd.s32 $0xFFFFFEF7, lr;
	s5 =	simm.s32 $0xFFFFFFFF;
	p2 =	slt.u32 s8, $0xFFFFF086  }
0x1c: {  	p1 =	slt.u32 s9, $0xF7A;
	s5 =	simm.s32 @!p2 $0x0  }
0x1d: {  	s5 =	simm.s32 @p1 $0x1;
	p0 =	seq.s32 s7, s2  }
0x1e: {  	s7 =	smul.u32 @!p0 $0xF7A, s2;
	p2 =	seq.s32 @!p0 s5, $0x0  }
0x1f: {  	s9 =	smul.u32 $0xF7A, s1;
	s8 =	simm.s32 @!p0 $0x1BF5;
	p2 =	por !p2, p0  }
0x20: {  	[sflag:s8] =	ssyncset.s32 @!p0 $0xFFFFF086;
	s6 =	sadd.s32 @!p0 s3, s7;
	s7 =	simm.s32 @!p0 $0x108  }
0x21: {  	s3 =	sadd.s32 s3, s9;
	s6 =	sadd.s32 @!p0 $0x88, s6;
	s7 =	simm.s32 @p2 $0x1082  }
0x22: {  	[simem:s7], [sflag:s8] =	dma.local @!p0 [hbm:s6], $0xF7A  }
0x23: {  	s9 =	sor.u32 $0xD0000000, s2;
	s6 =	simm.s32 $0x108;
	_ =	swait.ge @!p0 [sflag:s8], $0x0  }
0x24: {  	s3 =	sadd.s32 $0x88, s3;
	s6 =	simm.s32 @!p1 $0x1082;
	[sflag:s4] =	ssyncset.s32 $0xFFFFF086  }
0x25: {  	[simem:s6], [sflag:s4] =	dma.local [hbm:s3], $0xF7A  }
0x26: {  	[smem:$0x3F9D] =	sst s1;
	(tag) =	ssettag s2;
	_ =	strace s9  }
0x27: {  	s1 =	sld [smem:$0x3FAD]  }
0x28: {  	s2 =	sld [smem:$0x3FAE]  }
0x29: {  	s4 =	sld [smem:$0x3FB0]  }
0x2a: {  	p0 =	seq.s32 s5, $0x0;
	s5 =	sld [smem:$0x3FB1]  }
0x2b: {  	s6 =	sld [smem:$0x3FB2]  }
0x2c: {  	s7 =	sld [smem:$0x3FB3]  }
0x2d: {  	s3 =	simm.s32 $0x108;
	s8 =	sld [smem:$0x3FB4]  }
0x2e: {  	s3 =	simm.s32 @!p0 $0x1082;
	s9 =	sld [smem:$0x3FB5]  }
0x2f: {  	lr =	sadd.s32 s0, s3;
	s0 =	sld [smem:$0x3FAC]  }
0x30: {  	s3 =	sld [smem:$0x3FAF]  }
0x31: {  	[smem:$0x3FB8] =	sst s10  }
0x32: {  	s10 =	sld [smem:$0x3FB6];
	_ =	sdelay $0x3  }
0x33: {  	p0 =	seq.s32 s10, $0x1;
	s10 =	sld [smem:$0x3FB8];
	_ =	sdelay $0x3  }
0x34: {  	[smem:$0x3FB8] =	sst s10  }
0x35: {  	s10 =	sld [smem:$0x3FB7];
	_ =	sdelay $0x3  }
0x36: {  	p1 =	seq.s32 s10, $0x1;
	s10 =	sld [smem:$0x3FB8];
	_ =	sdelay $0x3  }
0x37: {  	[smem:$0x3FB8] =	sst s10  }
0x38: {  	s10 =	sld [smem:$0x3FB9]  }
0x39: {  	_ = 	snop;
	(pc) =	sbr.ind lr, $3  }
0x3a: {  	_ = 	snop  }
0x3b: {  	_ = 	snop  }
0x3c: {  	p2 =	seq.s32 s10, $0x1;
	s10 =	sld [smem:$0x3FB8]  }
0x3d: {  	_ =	shalt  }
0x3e: {  	_ =	shalt  }
0x3f: {  	_ =	shalt  }
0x40: {  	_ =	shalt  }
0x41: {  	_ =	shalt  }
0x42: {  	_ =	shalt  }
0x43: {  	_ =	shalt  }
0x44: {  	_ =	shalt  }
0x45: {  	_ =	shalt  }
0x46: {  	_ =	shalt  }
0x47: {  	_ =	shalt  }
0x48: {  	_ =	shalt  }
0x49: {  	_ =	shalt  }
0x4a: {  	_ =	shalt  }
0x4b: {  	_ =	shalt  }
0x4c: {  	_ =	shalt  }
0x4d: {  	_ =	shalt  }
0x4e: {  	_ =	shalt  }
0x4f: {  	_ =	shalt  }
0x50: {  	_ =	shalt  }
0x51: {  	_ =	shalt  }
0x52: {  	_ =	shalt  }
0x53: {  	_ =	shalt  }
0x54: {  	_ =	shalt  }
0x55: {  	_ =	shalt  }
0x56: {  	_ =	shalt  }
0x57: {  	_ =	shalt  }
0x58: {  	_ =	shalt  }
0x59: {  	_ =	shalt  }
0x5a: {  	_ =	shalt  }
0x5b: {  	_ =	shalt  }
0x5c: {  	_ =	shalt  }
0x5d: {  	_ =	shalt  }
0x5e: {  	_ =	shalt  }
0x5f: {  	_ =	shalt  }
0x60: {  	_ =	shalt  }
0x61: {  	_ =	shalt  }
0x62: {  	_ =	shalt  }
0x63: {  	_ =	shalt  }
0x64: {  	_ =	shalt  }
0x65: {  	_ =	shalt  }
0x66: {  	_ =	shalt  }
0x67: {  	_ =	shalt  }
0x68: {  	_ =	shalt  }
0x69: {  	_ =	shalt  }
0x6a: {  	_ =	shalt  }
0x6b: {  	_ =	shalt  }
0x6c: {  	_ =	shalt  }
0x6d: {  	_ =	shalt  }
0x6e: {  	_ =	shalt  }
0x6f: {  	_ =	shalt  }
0x70: {  	_ =	shalt  }
0x71: {  	_ =	shalt  }
0x72: {  	_ =	shalt  }
0x73: {  	_ =	shalt  }
0x74: {  	_ =	shalt  }
0x75: {  	_ =	shalt  }
0x76: {  	_ =	shalt  }
0x77: {  	_ =	shalt  }
0x78: {  	_ =	shalt  }
0x79: {  	_ =	shalt  }
0x7a: {  	_ =	shalt  }
0x7b: {  	_ =	shalt  }
0x7c: {  	_ =	shalt  }
0x7d: {  	_ =	shalt  }
0x7e: {  	_ =	shalt  }
0x7f: {  	_ =	shalt  }
0x80: {  	_ =	shalt  }
0x81: {  	_ =	shalt  }
0x82: {  	_ =	shalt  }
0x83: {  	_ =	shalt  }
0x84: {  	_ =	shalt  }
0x85: {  	_ =	shalt  }
0x86: {  	_ =	shalt  }
0x87: {  	_ =	shalt  }
.Lfunc_end0:
.L_simem_size_0:
called_computation_lowered:
.L_overlay_start_0:
0x88: {  	s2 =	sld [smem:$0x3FD9]  }
0x89: {  	s3 =	sld [smem:$0x3FFE];
	_ =	sdelay $0x1  }
0x8a: {  	s1 =	srdreg.scid  }
0x8b: {  	s0 =	sand.u32 $0x1, s1  }
0x8c: {  	s17 =	sshll.u32 s0, $0xA;
	s2 =	sadd.s32 s3, s2  }
0x8d: {  	s2 =	sadd.s32 s2, s17  }
0x8e: {  	[smem:$0x3FC4] =	sst s2  }
0x8f: {  	_ = 	snop  }
0x90: {  	s2 =	sld [smem:$0x3FC9]  }
0x91: {  	s18 =	sld [smem:$0x3FD0];
	(tm) =	ssettm $0x1  }
0x92: {  	s4 =	sld [smem:$0x3FFB];
	_ =	sdelay $0x3  }
0x93: {  	_ =	strace s4  }
0x94: {  	s4 =	sld [smem:$0x3FFC];
	_ =	sdelay $0x3  }
0x95: {  	_ =	strace s4  }
0x96: {  	s4 =	sld [smem:$0x3FFD];
	_ =	sdelay $0x3  }
0x97: {  	_ =	strace s4  }
0x98: {  	_ =	strace $0x8FFFFFFF  }
0x99: {  	s19 =	sld [smem:$0x3FDB];
	_ =	sdelay $0x1  }
0x9a: {  	s5 =	simm.s32 $_scs_section_size  }
0x9b: {  	s6 =	simm.s32 $_size__tile_overlayer_lowered;
	s7 =	simm.s32 $_tile_overlayer_lowered  }
0x9c: {  	s22 =	simm.s32 $0x1BFF;
	s21 =	sshll.u32 s7, $0x1;
	s4 =	sadd.s32 s5, s19  }
0x9d: {  	s8 =	simm.s32 $0x0;
	s20 =	sshll.u32 s6, $0x1;
	s6 =	sadd.s32 s21, s4  }
0x9e: {  	[timem:s8], [sflag:s22] =	dma.local [hbm:s6], s20  }
0x9f: {  	_ =	swait.ge [sflag:s22], s20  }
0xa0: {  	s5 =	ssub.s32 $0x0, s20;
	[sflag:s22] =	ssyncset.done $0x0  }
0xa1: {  	[sflag:s22] =	ssyncadd.s32 s5;
	_ =	sdelay $0x1  }
0xa2: {  	s23 =	simm.s32 $0x1B8B  }
0xa3: {  	_ =	swait.ge [sflag:s23], $0x1  }
0xa4: {  	[sflag:s23] =	ssyncset.done $0x0  }
0xa5: {  	s25 =	simm.s32 $0x1B8E;
	s24 =	sld [smem:$0x3FFE];
	[sflag:s23] =	ssyncadd.s32 $0xFFFFFFFF  }
0xa6: {  	s26 =	simm.s32 $execute0_lowered;
	[smem:$0x3FD2] =	sst s25  }
0xa7: {  	s6 =	sshll.u32 s26, $0x1;
	_ =	strace $0x80000046;
	[dreg:$0x1] =	wrdreg $0xFFFFFFFF  }
0xa8: {  	s28 =	simm.s32 $_size_execute0_lowered;
	s4 =	sadd.s32 s4, s6;
	[dreg:$0x0] =	wrdreg $0x0  }
0xa9: {  	s6 =	sshll.u32 s28, $0x1;
	[dreg:$0x2] =	wrdreg s4  }
0xaa: {  	[dreg:$0x3] =	wrdreg s6  }
0xab: {  	[dreg:$0x4] =	wrdreg $0xC0  }
0xac: {  	_ =	task [dreg:s8], $0x5FFFF  }
0xad: {  	[dreg:$0x1] =	wrdreg $0xFFFFFFFF  }
0xae: {  	[dreg:$0x0] =	wrdreg $0x60  }
0xaf: {  	[dreg:$0x2] =	wrdreg s2  }
0xb0: {  	[dreg:$0x3] =	wrdreg s18  }
0xb1: {  	[dreg:$0x4] =	wrdreg s24  }
0xb2: {  	[dreg:$0x5] =	wrdreg $0xB5800  }
0xb3: {  	[dreg:$0x6] =	wrdreg $0x1F5800  }
0xb4: {  	[dreg:$0x7] =	wrdreg $0x9  }
0xb5: {  	_ =	task.clear_ibuf [dreg:s8], $0x8FFFF;
	_ =	strace $0x90000046  }
0xb6: {  	s29 =	simm.s32 $0x9;
	_ =	strace $0x80000048  }
0xb7: {  	_ =	swait.ge [sflag:s29], $0x1  }
0xb8: {  	[sflag:s29] =	ssyncadd.s32 $0xFFFFFFFF  }
0xb9: {  	_ =	strace $0x90000048  }
0xba: {  	_ =	sfence  }
0xbb: {  	s30 =	sld [smem:$0x0];
	_ =	sdelay $0x2  }
0xbc: {  	s31 =	sshll.u32 s1, $0xD;
	s1 =	sshrl.u32 s1, $0x2  }
0xbd: {  	s3 =	sand.u32 $0x4000, s31;
	s1 =	sadd.s32 s1, s30  }
0xbe: {  	s0 =	sor.u32 s3, s0;
	s1 =	sshll.u32 s1, $0x11  }
0xbf: {  	s0 =	sor.u32 s1, s0  }
0xc0: {  	s0 =	sadd.s32 $0x8F2B, s0  }
0xc1: {  	[sflag:s0] =	ssyncadd.remote.s32 $0x1  }
0xc2: {  	_ =	sfence.sel $0xFFFF  }
0xc3: {  	[dreg:$0x0] =	wrdreg $0xFFFFFFFF;
	(pc) =	sbr.abs _section_cstart, $3  }
0xc4: {  	[dreg:$0x1] =	wrdreg $0xFFFFFFFF  }
0xc5: {  	_ =	task.clear_ibuf [dreg:s8], $0x2FFFF;
	_ =	strace $0x9FFFFFFF  }
0xc6: {  	(tm) =	ssettm $0x7FFFFFFF  }
0xc7: {  	_ =	shalt  }
tec
execute0_lowered:
.L_overlay_start_1:
0x0: {  	(tag) =	ssettag $0x1  }
0x1: {  	s1 =	rddreg [dreg:$0x0]  }
0x2: {  	s0 =	rddreg [dreg:$0x1]  }
0x3: {  	s4 =	rddreg [dreg:$0x2];
	s12 =	stileid.u32  }
0x4: {  	s2 =	rddreg [dreg:$0x3];
	s8 =	smul.u32 $0x14000, s12  }
0x5: {  	s3 =	rddreg [dreg:$0x4];
	s9 =	smul.u32 $0x500, s12  }
0x6: {  	s5 =	srdreg.scid;
	s29 =	simm.s32 $0xD;
	s11 =	smul.u32 $0x50000, s12  }
0x7: {  	s30 =	simm.s32 $0x2980;
	s31 =	simm.s32 $0x40;
	s22 =	smul.u32 $0x2710, s12  }
0x8: {  	s6 =	sand.u32 $0x1, s5;
	s5 =	simm.s32 $0x0;
	s26 =	smul.u32 $0xA00, s12  }
0x9: {  	s7 =	smul.u32 $0x140000, s6;
	[smem:$0x7FF] =	sst s5;
	s10 =	sshll.u32 s6, $0x4  }
0xa: {  	s15 =	sshll.u32 s6, $0x7;
	s17 =	ssub.s32 $0x2, s6;
	s6 =	smul.u32 $0x27100, s6  }
0xb: {  	s10 =	sor.u32 s12, s10;
	s7 =	sadd.s32 s8, s7;
	s8 =	sor.u32 s15, s9  }
0xc: {  	s18 =	sshrl.u32 s17, $0x1;
	s7 =	sshrl.u32 s7, $0x3;
	s8 =	sshrl.u32 s8, $0x3  }
0xd: {  	s19 =	sshrl.u32 s11, $0x2;
	s7 =	sadd.s32 s7, s4;
	s4 =	sadd.s32 s8, s4  }
0xe: {  	s8 =	ssub.s32 s17, s18;
	s18 =	sadd.s32 s19, s2;
	s19 =	simm.s32 $0x2900  }
0xf: {  	_ =	strace $0x80000047;
	s16 =	smul.u32 $0x2710, s10;
	[dreg:$0x6] =	wrdreg s19  }
0x10: {  	s6 =	sadd.s32 s22, s6;
	s20 =	sadd.s32 $0x2000, s18;
	[dreg:$0x9] =	wrdreg s18  }
0x11: {  	s12 =	sadd.s32 $0x4E340, s6;
	s21 =	sadd.s32 $0x4000, s18;
	[dreg:$0xa] =	wrdreg s20  }
0x12: {  	s14 =	sadd.s32 $0x4E300, s6;
	s10 =	sadd.s32 $0x6000, s18;
	[dreg:$0xb] =	wrdreg s21  }
0x13: {  	s9 =	sshrl.u32 s16, $0x3;
	s23 =	sadd.s32 $0x8000, s18;
	[dreg:$0xc] =	wrdreg s10  }
0x14: {  	s15 =	sshrl.u32 s14, $0x3;
	s24 =	sadd.s32 $0xA000, s18;
	[dreg:$0xd] =	wrdreg s23  }
0x15: {  	s16 =	sadd.s32 $0x4E2C0, s6;
	s25 =	sadd.s32 $0xC000, s18;
	[dreg:$0xe] =	wrdreg s24  }
0x16: {  	s6 =	sadd.s32 $0x4E280, s6;
	s28 =	sadd.s32 $0xE000, s18;
	[dreg:$0xf] =	wrdreg s25  }
0x17: {  	s14 =	simm.s32 $0x2;
	s11 =	sadd.s32 $0x10000, s18;
	[dreg:$0x10] =	wrdreg s28  }
0x18: {  	s13 =	sadd.s32 s0, s9;
	s9 =	sshrl.u32 s12, $0x3;
	[dreg:$0x11] =	wrdreg s11  }
0x19: {  	s17 =	sshrl.u32 s16, $0x3;
	s9 =	sadd.s32 s9, s0;
	[dreg:$0x8] =	wrdreg s13  }
0x1a: {  	s6 =	sshrl.u32 s6, $0x3;
	s21 =	sadd.s32 $0x12000, s18;
	[dreg:$0x12] =	wrdreg s9  }
0x1b: {  	s12 =	simm.s32 $0x2880;
	s20 =	simm.s32 $0x8980;
	[dreg:$0x16] =	wrdreg s21  }
0x1c: {  	s10 =	sshrl.u32 s26, $0x2;
	s22 =	sadd.s32 $0x9C40, s13;
	[dreg:$0x7] =	wrdreg s20  }
0x1d: {  	s23 =	sadd.s32 $0x1800, s7;
	s24 =	sadd.s32 $0xE00, s4;
	[dreg:$0x18] =	wrdreg s22  }
0x1e: {  	s25 =	smax.u32 s8, $0x1;
	s26 =	sadd.s32 $0x9C48, s13;
	[dreg:$0x19] =	wrdreg s23  }
0x1f: {  	s28 =	sadd.s32 $0xA120, s13;
	s4 =	simm.s32 $0x2800;
	[dreg:$0x1a] =	wrdreg s24  }
0x20: {  	s8 =	simm.s32 $0x4980;
	s11 =	simm.s32 $0xA980;
	[dreg:$0x1b] =	wrdreg s25  }
0x21: {  	s13 =	simm.s32 $0x6980;
	s7 =	simm.s32 $0x0;
	[dreg:$0x1c] =	wrdreg s26  }
0x22: {  	s9 =	sadd.s32 s15, s0;
	s19 =	sadd.s32 s10, s3;
	[dreg:$0x1d] =	wrdreg s28  }
0x23: {  	s10 =	simm.s32 $0x5;
	s15 =	simm.s32 $0x6;
	[dreg:$0x13] =	wrdreg s9  }
0x24: {  	s20 =	simm.s32 $0x3;
	s9 =	sadd.s32 s17, s0;
	[dreg:$0x17] =	wrdreg s19  }
0x25: {  	s22 =	simm.s32 $0x7;
	s0 =	sadd.s32 s6, s0;
	[dreg:$0x14] =	wrdreg s9  }
0x26: {  	v0 =	vimm.f32 $0.0e+00;
	v1 =	vimm.f32 $1.000000000e+00;
	[dreg:$0x15] =	wrdreg s0;
	s0 =	simm.s32 $0x2780;
	s9 =	simm.s32 $0x1  }
.LBB2_1:
0x27: {  	[dreg:$0x1e] =	wrdreg s7  }
0x28: {  	s6 =	rddreg [dreg:$0x8]  }
0x29: {  	[tilespmem:s5], [sflag:$0xD] =	stream.linear.gather [hbm4b:s6+s5], $0x2710, $0x38;
	[tilespmem:$0x1F800] =	vst v63  }
0x2a: {  	s26 =	sand.u32 $0x7E00, s5;
	s28 =	sand.u32 $0x70, s5;
	_ =	swait.ge [sflag:s29], $0x2710  }
0x2b: {  	s7 =	simm.s32 $0x0;
	s16 =	sshrl.u32 s26, $0x2;
	[sflag:s29] =	ssyncset.done $0x0  }
0x2c: {  	s6 =	simm.s32 $0x40;
	s16 =	sor.u32 s28, s16;
	[sflag:s29] =	ssyncadd.s32 $0xFFFFD8F0  }
.LBB2_2:
0x2d: {  	p0 =	sne.s32 s6, $0x7FC0  }
0x2e: {  	[tilespmem:s16+$0x2980] =	vst v0;
	s7 =	sadd.s32 $0x10, s7;
	s16 =	smov.u32 s6;
	s6 =	sadd.s32 $0x40, s6  }
.Ltmp0:
0x2f: {  	(pc) =	sbr.rel @p0 .LBB2_2-.Ltmp0, $4  }
0x30: {  	_ = 	snop  }
0x31: {  	s16 =	sand.u32 $0x7E00, s16  }
0x32: {  	s17 =	sand.u32 $0x70, s7;
	s16 =	sshrl.u32 s16, $0x2  }
0x33: {  	s16 =	sor.u32 s17, s16  }
0x34: {  	[tilespmem:s16+$0x2980] =	vst v0  }
0x35: {  	[tilespmem:$0xA980] =	vst v1  }
0x36: {  	[tilespmem:$0xA990] =	vst v1  }
0x37: {  	[tilespmem:$0xA9A0] =	vst v1  }
0x38: {  	[tilespmem:$0xA9B0] =	vst v1  }
0x39: {  	[tilespmem:$0xB280] =	vst v1  }
0x3a: {  	[tilespmem:$0xB300] =	vst v0  }
0x3b: {  	[tilespmem:$0xB310] =	vst v0  }
0x3c: {  	[tilespmem:$0xB320] =	vst v0  }
0x3d: {  	[tilespmem:$0xB330] =	vst v0  }
0x3e: {  	[tilespmem:$0xB340] =	vst v0  }
0x3f: {  	[tilespmem:$0xB350] =	vst v0  }
0x40: {  	[tilespmem:$0xB360] =	vst v0  }
0x41: {  	[tilespmem:$0xB370] =	vst v0  }
0x42: {  	[tilespmem:$0xB380] =	vst v0  }
0x43: {  	[tilespmem:$0xB390] =	vst v0  }
0x44: {  	[tilespmem:$0xB3A0] =	vst v0  }
0x45: {  	[tilespmem:$0xB3B0] =	vst v0  }
0x46: {  	[tilespmem:$0xB3C0] =	vst v0  }
0x47: {  	[tilespmem:$0xB3D0] =	vst v0  }
0x48: {  	[tilespmem:$0xB3E0] =	vst v0  }
0x49: {  	[tilespmem:$0xB3F0] =	vst v0  }
0x4a: {  	[tilespmem:$0xB400] =	vst v0  }
0x4b: {  	[tilespmem:$0xB410] =	vst v0  }
0x4c: {  	[tilespmem:$0xB420] =	vst v0  }
0x4d: {  	[tilespmem:$0xB430] =	vst v0  }
0x4e: {  	[tilespmem:$0xB440] =	vst v0  }
0x4f: {  	[tilespmem:$0xB450] =	vst v0  }
0x50: {  	[tilespmem:$0xB460] =	vst v0  }
0x51: {  	[tilespmem:$0xB470] =	vst v0  }
0x52: {  	[tilespmem:$0xB480] =	vst v0  }
0x53: {  	[tilespmem:$0xB490] =	vst v0  }
0x54: {  	[tilespmem:$0xB4A0] =	vst v0  }
0x55: {  	[tilespmem:$0xB4B0] =	vst v0  }
0x56: {  	[tilespmem:$0xB4C0] =	vst v0  }
0x57: {  	[tilespmem:$0xB4D0] =	vst v0  }
0x58: {  	[tilespmem:$0xB4E0] =	vst v0  }
0x59: {  	[tilespmem:$0xB4F0] =	vst v0  }
0x5a: {  	[tilespmem:$0xB500] =	vst v0  }
0x5b: {  	[tilespmem:$0xB510] =	vst v0  }
0x5c: {  	[tilespmem:$0xB520] =	vst v0  }
0x5d: {  	[tilespmem:$0xB530] =	vst v0  }
0x5e: {  	[tilespmem:$0xB540] =	vst v0  }
0x5f: {  	[tilespmem:$0xB550] =	vst v0  }
0x60: {  	[tilespmem:$0xB560] =	vst v0  }
0x61: {  	[tilespmem:$0xB570] =	vst v0  }
0x62: {  	[spmem:s18] =	stream.linear.scatter [tilespmem:s30], [sflag:$0xD], $0x2000, $0x38;
	[tilespmem:$0x1F800] =	vst v63  }
0x63: {  	_ =	swait.ge [sflag:s29], $0x2000  }
0x64: {  	[sflag:s29] =	ssyncset.done $0x0  }
0x65: {  	s6 =	rddreg [dreg:$0xa];
	[sflag:s29] =	ssyncadd.s32 $0xFFFFE000  }
0x66: {  	[spmem:s6] =	stream.linear.scatter [tilespmem:s30], [sflag:$0xD], $0x2000, $0x38;
	[tilespmem:$0x1F800] =	vst v63  }
0x67: {  	_ =	swait.ge [sflag:s29], $0x2000  }
0x68: {  	[sflag:s29] =	ssyncset.done $0x0  }
0x69: {  	s23 =	rddreg [dreg:$0xb];
	[sflag:s29] =	ssyncadd.s32 $0xFFFFE000  }
0x6a: {  	[spmem:s23] =	stream.linear.scatter [tilespmem:s30], [sflag:$0xD], $0x2000, $0x38;
	[tilespmem:$0x1F800] =	vst v63  }
0x6b: {  	_ =	swait.ge [sflag:s29], $0x2000  }
0x6c: {  	[sflag:s29] =	ssyncset.done $0x0  }
0x6d: {  	s24 =	rddreg [dreg:$0xc];
	[sflag:s29] =	ssyncadd.s32 $0xFFFFE000  }
0x6e: {  	[spmem:s24] =	stream.linear.scatter [tilespmem:s30], [sflag:$0xD], $0x2000, $0x38;
	[tilespmem:$0x1F800] =	vst v63  }
0x6f: {  	_ =	swait.ge [sflag:s29], $0x2000  }
0x70: {  	[sflag:s29] =	ssyncset.done $0x0  }
0x71: {  	s25 =	rddreg [dreg:$0xd];
	[sflag:s29] =	ssyncadd.s32 $0xFFFFE000  }
0x72: {  	[spmem:s25] =	stream.linear.scatter [tilespmem:s30], [sflag:$0xD], $0x2000, $0x38;
	[tilespmem:$0x1F800] =	vst v63  }
0x73: {  	_ =	swait.ge [sflag:s29], $0x2000  }
0x74: {  	[sflag:s29] =	ssyncset.done $0x0  }
0x75: {  	s26 =	rddreg [dreg:$0xe];
	[sflag:s29] =	ssyncadd.s32 $0xFFFFE000  }
0x76: {  	[spmem:s26] =	stream.linear.scatter [tilespmem:s30], [sflag:$0xD], $0x2000, $0x38;
	[tilespmem:$0x1F800] =	vst v63  }
0x77: {  	_ =	swait.ge [sflag:s29], $0x2000  }
0x78: {  	[sflag:s29] =	ssyncset.done $0x0  }
0x79: {  	s28 =	rddreg [dreg:$0xf];
	[sflag:s29] =	ssyncadd.s32 $0xFFFFE000  }
0x7a: {  	[spmem:s28] =	stream.linear.scatter [tilespmem:s30], [sflag:$0xD], $0x2000, $0x38;
	[tilespmem:$0x1F800] =	vst v63  }
0x7b: {  	_ =	swait.ge [sflag:s29], $0x2000  }
0x7c: {  	[sflag:s29] =	ssyncset.done $0x0  }
0x7d: {  	s7 =	rddreg [dreg:$0x10];
	[sflag:s29] =	ssyncadd.s32 $0xFFFFE000  }
0x7e: {  	[spmem:s7] =	stream.linear.scatter [tilespmem:s30], [sflag:$0xD], $0x2000, $0x38;
	[tilespmem:$0x1F800] =	vst v63  }
0x7f: {  	_ =	swait.ge [sflag:s29], $0x2000  }
0x80: {  	[sflag:s29] =	ssyncset.done $0x0  }
0x81: {  	s16 =	rddreg [dreg:$0x11];
	[sflag:s29] =	ssyncadd.s32 $0xFFFFE000  }
0x82: {  	[spmem:s16] =	stream.linear.scatter [tilespmem:s30], [sflag:$0xD], $0x2000, $0x38;
	[tilespmem:$0x1F800] =	vst v63  }
0x83: {  	_ =	swait.ge [sflag:s29], $0x2000  }
0x84: {  	[sflag:s29] =	ssyncset.done $0x0  }
0x85: {  	s17 =	rddreg [dreg:$0x16];
	[sflag:s29] =	ssyncadd.s32 $0xFFFFE000  }
0x86: {  	[spmem:s17] =	stream.linear.scatter [tilespmem:s30], [sflag:$0xD], $0x2000, $0x38;
	[tilespmem:$0x1F800] =	vst v63  }
0x87: {  	_ =	swait.ge [sflag:s29], $0x2000  }
0x88: {  	[sflag:s29] =	ssyncset.done $0x0  }
0x89: {  	s18 =	simm.s32 $0xB300;
	[sflag:s29] =	ssyncadd.s32 $0xFFFFE000  }
0x8a: {  	[spmem:s19] =	stream.linear.scatter [tilespmem:s18], [sflag:$0xD], $0x280, $0x38;
	[tilespmem:$0x1F800] =	vst v63  }
0x8b: {  	_ =	swait.ge [sflag:s29], $0x280  }
0x8c: {  	[sflag:s29] =	ssyncset.done $0x0  }
0x8d: {  	[sflag:s29] =	ssyncadd.s32 $0xFFFFFD80  }
0x8e: {  	[bflag:$0x0] =	sbarrier.arrive $0xFFFF  }
0x8f: {  	s17 =	simm.s32 $0x0;
	s19 =	rddreg [dreg:$0x18]  }
0x90: {  	[tilespmem:s0], [sflag:$0x1] =	stream.linear.gather [hbm4b:s19+s17], $0x40, $0x38;
	[tilespmem:$0x1F800] =	vst v63  }
0x91: {  	_ = 	snop  }
0x92: {  	[tilespmem:s30], [sflag:$0x5] =	stream.indirect.gather [hbm4b:s1+s31], $0x80, s17, s31, $0xb8;
	[tilespmem:$0x1F800] =	vst v63  }
0x93: {  	s21 =	rddreg [dreg:$0x1c]  }
0x94: {  	[tilespmem:s4], [sflag:$0x2] =	stream.linear.gather [hbm4b:s21+s17], $0x40, $0x38;
	[tilespmem:$0x1F800] =	vst v63  }
0x95: {  	_ = 	snop  }
0x96: {  	[tilespmem:s8], [sflag:$0x6] =	stream.indirect.gather [hbm4b:s1+s31], $0x80, s31, s31, $0xb8;
	[tilespmem:$0x1F800] =	vst v63  }
0x97: {  	_ =	swait.ge [sflag:s9], $0x40  }
0x98: {  	[sflag:s9] =	ssyncset.done $0x0  }
0x99: {  	[sflag:s9] =	ssyncadd.s32 $0xFFFFFFC0  }
0x9a: {  	_ =	swait.ge [sflag:s10], $0x2000  }
0x9b: {  	[sflag:s10] =	ssyncset.done $0x0  }
0x9c: {  	p0 =	por $0x1, $0x1;
	[sflag:s10] =	ssyncadd.s32 $0xFFFFE000  }
0x9d: {  	[spmem:s2] =	stream.indirect.scatter.add.f32 [tilespmem:s30], [sflag:$0x9], $0x80, s0, s31, $0xb8;
	[tilespmem:$0x1F800] =	vst v63  }
0x9e: {  	s6 =	simm.s32 @!p0 $0xB  }
0x9f: {  	[spmem:s3] =	stream.indirect.scatter.add.f32 [tilespmem:s11], [sflag:$0x9], $0x1, s0, s31, $0xb8;
	[tilespmem:$0x1F800] =	vst v63  }
0xa0: {  	_ =	swait.ge @!p0 [sflag:s6], $0x2000  }
0xa1: {  	[sflag:s6] =	ssyncset.done @!p0 $0x0  }
0xa2: {  	[sflag:s6] =	ssyncadd.s32 @!p0 $0xFFFFE000  }
0xa3: {  	_ =	swait.ge @!p0 [sflag:s6], $0x40  }
0xa4: {  	[sflag:s6] =	ssyncset.done @!p0 $0x0  }
0xa5: {  	s25 =	rddreg [dreg:$0x15];
	[sflag:s6] =	ssyncadd.s32 @!p0 $0xFFFFFFC0  }
0xa6: {  	[tilespmem:s12], [sflag:$0x3] =	stream.linear.gather [hbm4b:s25+s5], $0x40, $0x38;
	[tilespmem:$0x1F800] =	vst v63  }
0xa7: {  	s23 =	simm.s32 $0x80  }
0xa8: {  	[tilespmem:s13], [sflag:$0x7] =	stream.indirect.gather [hbm4b:s1+s31], $0x80, s23, s31, $0xb8;
	[tilespmem:$0x1F800] =	vst v63  }
0xa9: {  	_ =	swait.ge [sflag:s14], $0x40  }
0xaa: {  	[sflag:s14] =	ssyncset.done $0x0  }
0xab: {  	[sflag:s14] =	ssyncadd.s32 $0xFFFFFFC0  }
0xac: {  	_ =	swait.ge [sflag:s15], $0x2000  }
0xad: {  	[sflag:s15] =	ssyncset.done $0x0  }
0xae: {  	[sflag:s15] =	ssyncadd.s32 $0xFFFFE000  }
0xaf: {  	[spmem:s2] =	stream.indirect.scatter.add.f32 [tilespmem:s8], [sflag:$0xA], $0x80, s4, s31, $0xb8;
	[tilespmem:$0x1F800] =	vst v63  }
0xb0: {  	s6 =	simm.s32 @!p0 $0xC  }
0xb1: {  	[spmem:s3] =	stream.indirect.scatter.add.f32 [tilespmem:s11], [sflag:$0xA], $0x1, s4, s31, $0xb8;
	[tilespmem:$0x1F800] =	vst v63  }
0xb2: {  	_ =	swait.ge @!p0 [sflag:s6], $0x2000  }
0xb3: {  	[sflag:s6] =	ssyncset.done @!p0 $0x0  }
0xb4: {  	[sflag:s6] =	ssyncadd.s32 @!p0 $0xFFFFE000  }
0xb5: {  	_ =	swait.ge @!p0 [sflag:s6], $0x40  }
0xb6: {  	s7 =	rddreg [dreg:$0x6];
	[sflag:s6] =	ssyncset.done @!p0 $0x0  }
0xb7: {  	s26 =	rddreg [dreg:$0x14];
	[sflag:s6] =	ssyncadd.s32 @!p0 $0xFFFFFFC0  }
0xb8: {  	[tilespmem:s7], [sflag:$0x4] =	stream.linear.gather [hbm4b:s26+s5], $0x40, $0x38;
	[tilespmem:$0x1F800] =	vst v63  }
0xb9: {  	s28 =	simm.s32 $0xC0;
	s24 =	rddreg [dreg:$0x7]  }
0xba: {  	[tilespmem:s24], [sflag:$0x8] =	stream.indirect.gather [hbm4b:s1+s31], $0x80, s28, s31, $0xb8;
	[tilespmem:$0x1F800] =	vst v63  }
0xbb: {  	_ =	swait.ge [sflag:s20], $0x40  }
0xbc: {  	[sflag:s20] =	ssyncset.done $0x0  }
0xbd: {  	[sflag:s20] =	ssyncadd.s32 $0xFFFFFFC0  }
0xbe: {  	_ =	swait.ge [sflag:s22], $0x2000  }
0xbf: {  	[sflag:s22] =	ssyncset.done $0x0  }
0xc0: {  	p1 =	por $0x0, $0x0;
	[sflag:s22] =	ssyncadd.s32 $0xFFFFE000  }
0xc1: {  	[spmem:s2] =	stream.indirect.scatter.add.f32 [tilespmem:s13], [sflag:$0xB], $0x80, s12, s31, $0xb8;
	[tilespmem:$0x1F800] =	vst v63  }
0xc2: {  	s6 =	simm.s32 @p1 $0x4  }
0xc3: {  	[spmem:s3] =	stream.indirect.scatter.add.f32 [tilespmem:s11], [sflag:$0xB], $0x1, s12, s31, $0xb8;
	[tilespmem:$0x1F800] =	vst v63  }
0xc4: {  	_ =	swait.ge @p1 [sflag:s6], $0x40  }
0xc5: {  	[sflag:s6] =	ssyncset.done @p1 $0x0  }
0xc6: {  	s7 =	simm.s32 @p1 $0x8;
	[sflag:s6] =	ssyncadd.s32 @p1 $0xFFFFFFC0  }
0xc7: {  	_ =	swait.ge @p1 [sflag:s7], $0x2000  }
0xc8: {  	s16 =	simm.s32 @p1 $0x40;
	[sflag:s7] =	ssyncset.done @p1 $0x0  }
0xc9: {  	s18 =	simm.s32 @p1 $0x2900;
	s6 =	simm.s32 @p1 $0x8980;
	[sflag:s7] =	ssyncadd.s32 @p1 $0xFFFFE000  }
0xca: {  	[spmem:s2] =	stream.indirect.scatter.add.f32 @p1 [tilespmem:s6], [sflag:$0xC], $0x80, s18, s16, $0xb8;
	[tilespmem:$0x1F800] =	vst v63  }
0xcb: {  	s7 =	simm.s32 @!p1 $0x9;
	s6 =	simm.s32 @p1 $0xA980  }
0xcc: {  	[spmem:s3] =	stream.indirect.scatter.add.f32 @p1 [tilespmem:s6], [sflag:$0xC], $0x1, s18, s16, $0xb8;
	[tilespmem:$0x1F800] =	vst v63  }
0xcd: {  	_ =	swait.ge @!p1 [sflag:s7], $0x2000  }
0xce: {  	[sflag:s7] =	ssyncset.done @!p1 $0x0  }
0xcf: {  	[sflag:s7] =	ssyncadd.s32 @!p1 $0xFFFFE000  }
0xd0: {  	_ =	swait.ge @!p1 [sflag:s7], $0x40  }
0xd1: {  	s24 =	simm.s32 @!p1 $0x40;
	s16 =	simm.s32 @!p1 $0x0;
	[sflag:s7] =	ssyncset.done @!p1 $0x0  }
0xd2: {  	s18 =	simm.s32 @!p1 $0x2780;
	s21 =	rddreg [dreg:$0x13];
	[sflag:s7] =	ssyncadd.s32 @!p1 $0xFFFFFFC0  }
0xd3: {  	[tilespmem:s18], [sflag:$0x1] =	stream.linear.gather @!p1 [hbm4b:s21+s16], $0x40, $0x38;
	[tilespmem:$0x1F800] =	vst v63  }
0xd4: {  	s6 =	simm.s32 @!p1 $0x100;
	s7 =	simm.s32 @!p1 $0x2980;
	s18 =	simm.s32 @!p1 $0x4  }
0xd5: {  	[tilespmem:s7], [sflag:$0x5] =	stream.indirect.gather @!p1 [hbm4b:s1+s24], $0x80, s6, s24, $0xb8;
	[tilespmem:$0x1F800] =	vst v63  }
0xd6: {  	_ =	swait.ge @!p1 [sflag:s18], $0x40  }
0xd7: {  	[sflag:s18] =	ssyncset.done @!p1 $0x0  }
0xd8: {  	s6 =	simm.s32 @!p1 $0x8;
	[sflag:s18] =	ssyncadd.s32 @!p1 $0xFFFFFFC0  }
0xd9: {  	_ =	swait.ge @!p1 [sflag:s6], $0x2000  }
0xda: {  	[sflag:s6] =	ssyncset.done @!p1 $0x0  }
0xdb: {  	s7 =	simm.s32 @!p1 $0x2900;
	s18 =	simm.s32 @!p1 $0x8980;
	[sflag:s6] =	ssyncadd.s32 @!p1 $0xFFFFE000  }
0xdc: {  	[spmem:s2] =	stream.indirect.scatter.add.f32 @!p1 [tilespmem:s18], [sflag:$0xC], $0x80, s7, s24, $0xb8;
	[tilespmem:$0x1F800] =	vst v63  }
0xdd: {  	s6 =	simm.s32 @!p1 $0xA980;
	s18 =	simm.s32 @!p1 $0xA  }
0xde: {  	[spmem:s3] =	stream.indirect.scatter.add.f32 @!p1 [tilespmem:s6], [sflag:$0xC], $0x1, s7, s24, $0xb8;
	[tilespmem:$0x1F800] =	vst v63  }
0xdf: {  	_ =	swait.ge @!p1 [sflag:s18], $0x2000  }
0xe0: {  	[sflag:s18] =	ssyncset.done @!p1 $0x0  }
0xe1: {  	[sflag:s18] =	ssyncadd.s32 @!p1 $0xFFFFE000  }
0xe2: {  	s19 =	sadd.s32 $0x20, s26;
	s21 =	sadd.s32 $0x20, s21;
	_ =	swait.ge @!p1 [sflag:s18], $0x40  }
0xe3: {  	s6 =	simm.s32 @!p1 $0x2800;
	s7 =	simm.s32 @!p1 $0x140;
	[sflag:s18] =	ssyncset.done @!p1 $0x0  }
0xe4: {  	s23 =	rddreg [dreg:$0x12];
	[sflag:s18] =	ssyncadd.s32 @!p1 $0xFFFFFFC0;
	s18 =	sadd.s32 $0x20, s25  }
0xe5: {  	[tilespmem:s6], [sflag:$0x2] =	stream.linear.gather @!p1 [hbm4b:s23+s16], $0x40, $0x38;
	[tilespmem:$0x1F800] =	vst v63  }
0xe6: {  	s25 =	simm.s32 @!p1 $0x4980;
	s16 =	simm.s32 $0x400;
	s6 =	smov.u32 s23  }
.LBB2_4:
0xe7: {  	[tilespmem:s25], [sflag:$0x6] =	stream.indirect.gather @!p1 [hbm4b:s1+s24], $0x80, s7, s24, $0xb8;
	[tilespmem:$0x1F800] =	vst v63  }
0xe8: {  	_ =	swait.ge [sflag:s9], $0x40  }
0xe9: {  	[sflag:s9] =	ssyncset.done $0x0  }
0xea: {  	[sflag:s9] =	ssyncadd.s32 $0xFFFFFFC0  }
0xeb: {  	_ =	swait.ge [sflag:s10], $0x2000  }
0xec: {  	s23 =	smov.u32 s16;
	[sflag:s10] =	ssyncset.done $0x0  }
0xed: {  	p1 =	seq.s32 s23, $0x0;
	[sflag:s10] =	ssyncadd.s32 $0xFFFFE000  }
0xee: {  	[spmem:s2] =	stream.indirect.scatter.add.f32 [tilespmem:s30], [sflag:$0x9], $0x80, s0, s31, $0xb8;
	[tilespmem:$0x1F800] =	vst v63  }
0xef: {  	s7 =	simm.s32 @!p1 $0xB  }
0xf0: {  	[spmem:s3] =	stream.indirect.scatter.add.f32 [tilespmem:s11], [sflag:$0x9], $0x1, s0, s31, $0xb8;
	[tilespmem:$0x1F800] =	vst v63  }
0xf1: {  	_ =	swait.ge @!p1 [sflag:s7], $0x2000  }
0xf2: {  	[sflag:s7] =	ssyncset.done @!p1 $0x0  }
0xf3: {  	[sflag:s7] =	ssyncadd.s32 @!p1 $0xFFFFE000  }
0xf4: {  	_ =	swait.ge @!p1 [sflag:s7], $0x40  }
0xf5: {  	[sflag:s7] =	ssyncset.done @!p1 $0x0  }
0xf6: {  	[sflag:s7] =	ssyncadd.s32 @!p1 $0xFFFFFFC0;
	s7 =	sshra.s32 s23, $0x2  }
0xf7: {  	[tilespmem:s12], [sflag:$0x3] =	stream.linear.gather [hbm4b:s18+s5], $0x40, $0x38;
	[tilespmem:$0x1F800] =	vst v63  }
0xf8: {  	s25 =	sadd.s32 $0x80, s7  }
0xf9: {  	[tilespmem:s13], [sflag:$0x7] =	stream.indirect.gather [hbm4b:s1+s31], $0x80, s25, s31, $0xb8;
	[tilespmem:$0x1F800] =	vst v63  }
0xfa: {  	_ =	swait.ge [sflag:s14], $0x40  }
0xfb: {  	[sflag:s14] =	ssyncset.done $0x0  }
0xfc: {  	[sflag:s14] =	ssyncadd.s32 $0xFFFFFFC0  }
0xfd: {  	_ =	swait.ge [sflag:s15], $0x2000  }
0xfe: {  	[sflag:s15] =	ssyncset.done $0x0  }
0xff: {  	[sflag:s15] =	ssyncadd.s32 $0xFFFFE000  }
0x100: {  	[spmem:s2] =	stream.indirect.scatter.add.f32 [tilespmem:s8], [sflag:$0xA], $0x80, s4, s31, $0xb8;
	[tilespmem:$0x1F800] =	vst v63  }
0x101: {  	s24 =	simm.s32 @!p1 $0xC  }
0x102: {  	[spmem:s3] =	stream.indirect.scatter.add.f32 [tilespmem:s11], [sflag:$0xA], $0x1, s4, s31, $0xb8;
	[tilespmem:$0x1F800] =	vst v63  }
0x103: {  	_ =	swait.ge @!p1 [sflag:s24], $0x2000  }
0x104: {  	[sflag:s24] =	ssyncset.done @!p1 $0x0  }
0x105: {  	[sflag:s24] =	ssyncadd.s32 @!p1 $0xFFFFE000  }
0x106: {  	_ =	swait.ge @!p1 [sflag:s24], $0x40  }
0x107: {  	[sflag:s24] =	ssyncset.done @!p1 $0x0  }
0x108: {  	s26 =	rddreg [dreg:$0x6];
	[sflag:s24] =	ssyncadd.s32 @!p1 $0xFFFFFFC0  }
0x109: {  	[tilespmem:s26], [sflag:$0x4] =	stream.linear.gather [hbm4b:s19+s5], $0x40, $0x38;
	[tilespmem:$0x1F800] =	vst v63  }
0x10a: {  	s7 =	sadd.s32 $0xC0, s7;
	s28 =	rddreg [dreg:$0x7]  }
0x10b: {  	[tilespmem:s28], [sflag:$0x8] =	stream.indirect.gather [hbm4b:s1+s31], $0x80, s7, s31, $0xb8;
	[tilespmem:$0x1F800] =	vst v63  }
0x10c: {  	_ =	swait.ge [sflag:s20], $0x40  }
0x10d: {  	[sflag:s20] =	ssyncset.done $0x0  }
0x10e: {  	[sflag:s20] =	ssyncadd.s32 $0xFFFFFFC0  }
0x10f: {  	_ =	swait.ge [sflag:s22], $0x2000  }
0x110: {  	s17 =	sadd.s32 $0x1, s17;
	[sflag:s22] =	ssyncset.done $0x0  }
0x111: {  	p1 =	sgt.u32 s17, $0x25;
	[sflag:s22] =	ssyncadd.s32 $0xFFFFE000  }
0x112: {  	[spmem:s2] =	stream.indirect.scatter.add.f32 [tilespmem:s13], [sflag:$0xB], $0x80, s12, s31, $0xb8;
	[tilespmem:$0x1F800] =	vst v63  }
0x113: {  	s24 =	simm.s32 @p1 $0x4  }
0x114: {  	[spmem:s3] =	stream.indirect.scatter.add.f32 [tilespmem:s11], [sflag:$0xB], $0x1, s12, s31, $0xb8;
	[tilespmem:$0x1F800] =	vst v63  }
0x115: {  	_ =	swait.ge @p1 [sflag:s24], $0x40  }
0x116: {  	[sflag:s24] =	ssyncset.done @p1 $0x0  }
0x117: {  	s25 =	simm.s32 @p1 $0x8;
	[sflag:s24] =	ssyncadd.s32 @p1 $0xFFFFFFC0  }
0x118: {  	_ =	swait.ge @p1 [sflag:s25], $0x2000  }
0x119: {  	s26 =	simm.s32 @p1 $0x40;
	[sflag:s25] =	ssyncset.done @p1 $0x0  }
0x11a: {  	s28 =	simm.s32 @p1 $0x2900;
	s24 =	simm.s32 @p1 $0x8980;
	[sflag:s25] =	ssyncadd.s32 @p1 $0xFFFFE000  }
0x11b: {  	[spmem:s2] =	stream.indirect.scatter.add.f32 @p1 [tilespmem:s24], [sflag:$0xC], $0x80, s28, s26, $0xb8;
	[tilespmem:$0x1F800] =	vst v63  }
0x11c: {  	s25 =	simm.s32 @p1 $0xA980;
	s24 =	simm.s32 @!p1 $0x9  }
0x11d: {  	[spmem:s3] =	stream.indirect.scatter.add.f32 @p1 [tilespmem:s25], [sflag:$0xC], $0x1, s28, s26, $0xb8;
	[tilespmem:$0x1F800] =	vst v63  }
0x11e: {  	_ =	swait.ge @!p1 [sflag:s24], $0x2000  }
0x11f: {  	[sflag:s24] =	ssyncset.done @!p1 $0x0  }
0x120: {  	[sflag:s24] =	ssyncadd.s32 @!p1 $0xFFFFE000  }
0x121: {  	s7 =	sshra.s32 @!p1 s23, $0x2;
	_ =	swait.ge @!p1 [sflag:s24], $0x40  }
0x122: {  	s23 =	sadd.s32 @!p1 $0x100, s7;
	[sflag:s24] =	ssyncset.done @!p1 $0x0  }
0x123: {  	s26 =	simm.s32 @!p1 $0x0;
	s25 =	simm.s32 @!p1 $0x2780;
	[sflag:s24] =	ssyncadd.s32 @!p1 $0xFFFFFFC0  }
0x124: {  	[tilespmem:s25], [sflag:$0x1] =	stream.linear.gather @!p1 [hbm4b:s21+s26], $0x40, $0x38;
	[tilespmem:$0x1F800] =	vst v63  }
0x125: {  	s28 =	simm.s32 @!p1 $0x2980;
	s24 =	simm.s32 @!p1 $0x40;
	s25 =	simm.s32 @!p1 $0x4  }
0x126: {  	[tilespmem:s28], [sflag:$0x5] =	stream.indirect.gather @!p1 [hbm4b:s1+s24], $0x80, s23, s24, $0xb8;
	[tilespmem:$0x1F800] =	vst v63  }
0x127: {  	_ =	swait.ge @!p1 [sflag:s25], $0x40  }
0x128: {  	[sflag:s25] =	ssyncset.done @!p1 $0x0  }
0x129: {  	s23 =	simm.s32 @!p1 $0x8;
	[sflag:s25] =	ssyncadd.s32 @!p1 $0xFFFFFFC0  }
0x12a: {  	_ =	swait.ge @!p1 [sflag:s23], $0x2000  }
0x12b: {  	[sflag:s23] =	ssyncset.done @!p1 $0x0  }
0x12c: {  	s28 =	simm.s32 @!p1 $0x8980;
	s25 =	simm.s32 @!p1 $0x2900;
	[sflag:s23] =	ssyncadd.s32 @!p1 $0xFFFFE000  }
0x12d: {  	[spmem:s2] =	stream.indirect.scatter.add.f32 @!p1 [tilespmem:s28], [sflag:$0xC], $0x80, s25, s24, $0xb8;
	[tilespmem:$0x1F800] =	vst v63  }
0x12e: {  	s23 =	simm.s32 @!p1 $0xA980;
	s28 =	simm.s32 @!p1 $0xA  }
0x12f: {  	[spmem:s3] =	stream.indirect.scatter.add.f32 @!p1 [tilespmem:s23], [sflag:$0xC], $0x1, s25, s24, $0xb8;
	[tilespmem:$0x1F800] =	vst v63  }
0x130: {  	s16 =	sadd.s32 $0x400, s16;
	_ =	swait.ge @!p1 [sflag:s28], $0x2000  }
0x131: {  	p0 =	sne.s32 s16, $0x9C00;
	[sflag:s28] =	ssyncset.done @!p1 $0x0  }
.Ltmp1:
0x132: {  	s6 =	sadd.s32 $0x20, s6;
	[sflag:s28] =	ssyncadd.s32 @!p1 $0xFFFFE000;
	(pc) =	sbr.rel @p0 .LBB2_4-.Ltmp1, $4  }
0x133: {  	s18 =	sadd.s32 $0x20, s18;
	s19 =	sadd.s32 $0x20, s19;
	_ =	swait.ge @!p1 [sflag:s28], $0x40  }
0x134: {  	s7 =	sadd.s32 @!p1 $0x140, s7;
	s21 =	sadd.s32 $0x20, s21;
	[sflag:s28] =	ssyncset.done @!p1 $0x0  }
0x135: {  	s23 =	simm.s32 @!p1 $0x2800;
	s25 =	simm.s32 @!p1 $0x4980;
	[sflag:s28] =	ssyncadd.s32 @!p1 $0xFFFFFFC0  }
0x136: {  	[tilespmem:s23], [sflag:$0x2] =	stream.linear.gather @!p1 [hbm4b:s6+s26], $0x40, $0x38;
	[tilespmem:$0x1F800] =	vst v63  }
0x137: {  	[tilespmem:s25], [sflag:$0x6] =	stream.indirect.gather @!p1 [hbm4b:s1+s24], $0x80, s7, s24, $0xb8;
	[tilespmem:$0x1F800] =	vst v63  }
0x138: {  	s6 =	simm.s32 $0x9  }
0x139: {  	_ =	swait.ge [sflag:s6], $0x2000  }
0x13a: {  	[sflag:s6] =	ssyncset.done $0x0  }
0x13b: {  	[sflag:s6] =	ssyncadd.s32 $0xFFFFE000  }
0x13c: {  	_ =	swait.ge [sflag:s6], $0x40  }
0x13d: {  	[sflag:s6] =	ssyncset.done $0x0  }
0x13e: {  	s21 =	simm.s32 $0xA;
	[sflag:s6] =	ssyncadd.s32 $0xFFFFFFC0  }
0x13f: {  	_ =	swait.ge [sflag:s21], $0x2000  }
0x140: {  	[sflag:s21] =	ssyncset.done $0x0  }
0x141: {  	[sflag:s21] =	ssyncadd.s32 $0xFFFFE000  }
0x142: {  	_ =	swait.ge [sflag:s21], $0x40  }
0x143: {  	[sflag:s21] =	ssyncset.done $0x0  }
0x144: {  	s23 =	simm.s32 $0xB;
	[sflag:s21] =	ssyncadd.s32 $0xFFFFFFC0  }
0x145: {  	_ =	swait.ge [sflag:s23], $0x2000  }
0x146: {  	[sflag:s23] =	ssyncset.done $0x0  }
0x147: {  	[sflag:s23] =	ssyncadd.s32 $0xFFFFE000  }
0x148: {  	_ =	swait.ge [sflag:s23], $0x40  }
0x149: {  	[sflag:s23] =	ssyncset.done $0x0  }
0x14a: {  	s24 =	simm.s32 $0xC;
	[sflag:s23] =	ssyncadd.s32 $0xFFFFFFC0  }
0x14b: {  	_ =	swait.ge [sflag:s24], $0x2000  }
0x14c: {  	[sflag:s24] =	ssyncset.done $0x0  }
0x14d: {  	[sflag:s24] =	ssyncadd.s32 $0xFFFFE000  }
0x14e: {  	_ =	swait.ge [sflag:s24], $0x40  }
0x14f: {  	[sflag:s24] =	ssyncset.done $0x0  }
0x150: {  	s26 =	simm.s32 $0xAA00;
	s25 =	rddreg [dreg:$0x1d];
	[sflag:s24] =	ssyncadd.s32 $0xFFFFFFC0  }
0x151: {  	[tilespmem:s26], [sflag:$0xD] =	stream.linear.gather [hbm4b:s25+s5], $0x10, $0x38;
	[tilespmem:$0x1F800] =	vst v63  }
0x152: {  	_ =	swait.ge [sflag:s29], $0x10  }
0x153: {  	s17 =	simm.s32 $0x10;
	[sflag:s29] =	ssyncset.done $0x0  }
0x154: {  	s28 =	simm.s32 $0x2700;
	s16 =	simm.s32 $0xAA80;
	[sflag:s29] =	ssyncadd.s32 $0xFFFFFFF0  }
0x155: {  	[tilespmem:s16], [sflag:$0xD] =	stream.indirect.gather [hbm4b:s1+s17], $0x80, s28, s17, $0xb8;
	[tilespmem:$0x1F800] =	vst v63  }
0x156: {  	_ =	swait.ge [sflag:s29], $0x800  }
0x157: {  	[sflag:s29] =	ssyncset.done $0x0  }
0x158: {  	[sflag:s29] =	ssyncadd.s32 $0xFFFFF800  }
0x159: {  	[spmem:s2] =	stream.indirect.scatter.add.f32 [tilespmem:s16], [sflag:$0xD], $0x80, s26, s17, $0xb8;
	[tilespmem:$0x1F800] =	vst v63  }
0x15a: {  	_ =	swait.ge [sflag:s29], $0x800  }
0x15b: {  	[sflag:s29] =	ssyncset.done $0x0  }
0x15c: {  	s18 =	simm.s32 $0xB280;
	[sflag:s29] =	ssyncadd.s32 $0xFFFFF800  }
0x15d: {  	[spmem:s3] =	stream.indirect.scatter.add.f32 [tilespmem:s18], [sflag:$0xD], $0x1, s26, s17, $0xb8;
	[tilespmem:$0x1F800] =	vst v63  }
0x15e: {  	_ =	swait.ge [sflag:s29], $0x10  }
0x15f: {  	[sflag:s29] =	ssyncset.done $0x0  }
0x160: {  	[sflag:s29] =	ssyncadd.s32 $0xFFFFFFF0  }
0x161: {  	s19 =	stileid.u32;
	[bflag:$0x0] =	sbarrier.arrive $0xFFFF  }
0x162: {  	s6 =	sshll.u32 s19, $0x6;
	s18 =	rddreg [dreg:$0x9]  }
0x163: {  	s6 =	sor.u32 $0x1C0D, s6;
	s23 =	rddreg [dreg:$0x19];
	s21 =	sshrl.u32 s18, $0x3  }
0x164: {  	[hbm:s23], [sflag:s6] =	dma.local [spmem:s21], $0x2800  }
0x165: {  	_ =	swait.ge [sflag:s29], $0x2800  }
0x166: {  	s21 =	simm.s32 $0x20;
	[sflag:s29] =	ssyncset.done $0x0;
	s19 =	rddreg [dreg:$0x17]  }
0x167: {  	s25 =	rddreg [dreg:$0x1a];
	[sflag:s29] =	ssyncadd.s32 $0xFFFFD800;
	s24 =	sshrl.u32 s19, $0x3  }
0x168: {  	[hbm:s25@s21], [sflag:s6] =	dma.strided [spmem:s24@s17], $0x50, s9, $0x10   }
0x169: {  	_ =	swait.ge [sflag:s29], $0x50  }
0x16a: {  	s26 =	rddreg [dreg:$0x1e]  }
0x16b: {  	s28 =	rddreg [dreg:$0x1b];
	s7 =	sadd.s32 $0x1, s26  }
0x16c: {  	p0 =	sne.s32 s7, s28  }
.Ltmp2:
0x16d: {  	_ = 	snop;
	(pc) =	sbr.rel @p0 .LBB2_1-.Ltmp2, $3  }
0x16e: {  	_ =	sdelay $0x1  }
0x16f: {  	[sflag:s29] =	ssyncset.done $0x0  }
0x170: {  	[sflag:s29] =	ssyncadd.s32 $0xFFFFFFB0  }
0x171: {  	_ =	sfence.sel $0x180000  }
0x172: {  	[bflag:$0x0] =	sbarrier.arrive $0xFFFF  }
0x173: {  	_ =	strace $0x90000047  }
0x174: {  	s0 =	stileid.u32;
	[bflag:$0x2] =	sbarrier.arrive $0xFFFF  }
0x175: {  	p0 =	sne.s32 s0, $0x0;
	s0 =	rddreg [dreg:$0x5]  }
0x176: {  	s0 =	sadd.s32 @!p0 $0x100000, s0  }
0x177: {  	[sflag:s0] =	ssyncadd.tile.s32 @!p0 $0x1;
	_ =	shalt  }
.Lfunc_end2:
_tile_overlayer_lowered:
.L_overlay_start_2:
0x178: {  	(tag) =	ssettag $0x2  }
0x179: {  	s0 =	rddreg [dreg:$0x0];
	s2 =	stileid.u32  }
0x17a: {  	s1 =	rddreg [dreg:$0x1];
	p0 =	sne.s32 s2, $0x0  }
0x17b: {  	s3 =	rddreg [dreg:$0x2];
	[bflag:$0x3] =	sbarrier.arrive $0xFFFF;
	s2 =	simm.s32 @!p0 $0x1C0D  }
0x17c: {  	[timem:s3], [sflag:s2] =	dma.local @!p0 [hbm:s0], s1  }
0x17d: {  	s0 =	simm.s32 @!p0 $0xD  }
0x17e: {  	_ =	swait.ge @!p0 [sflag:s0], s1  }
0x17f: {  	s1 =	ssub.s32 @!p0 $0x0, s1;
	[sflag:s0] =	ssyncset.done @!p0 $0x0  }
0x180: {  	[sflag:s0] =	ssyncadd.s32 @!p0 s1  }
0x181: {  	[bflag:$0x3] =	sbarrier.arrive $0xFFFF  }
0x182: {  	_ =	shalt  }

</sc_bundles>
